<compile_context>
chip_gen: v7x
topology: tpu7x:2x2x1
jax: 0.10.2.dev20260603
libtpu: 0.0.44.dev20260713+nightly
codegen_flags: <defaults>
</compile_context>

<pallas_src>
import functools

import jax
import jax.numpy as jnp
from jax import lax
from jax.experimental import pallas as pl
from jax.experimental.pallas import tpu as pltpu
from jax.experimental.pallas import tpu_sc as plsc

NUM_EXPERTS = 64
MODEL_DIM = 768
EXPERT_DIM = 768
TOKENS = 4096

PAD8 = 8
TOKENS_PAD = TOKENS + NUM_EXPERTS * PAD8
BLK = 128
MAX_TILES = NUM_EXPERTS - 1 + TOKENS // BLK



_RBT = 512
_TBL = 128


def _router_body(x_ref, rw_ref, slot_ref, tbl_ref,
                 carry_ref, sel_all, rank_all):
    t = pl.program_id(0)

    @pl.when(t == 0)
    def _():
        carry_ref[...] = jnp.zeros_like(carry_ref)

    logits = lax.dot_general(
        x_ref[...], rw_ref[...],
        dimension_numbers=(((1,), (1,)), ((), ())),
        preferred_element_type=jnp.float32,
    )
    m = jnp.max(logits, axis=1, keepdims=True)
    p = jnp.exp(logits - m)
    p = p / jnp.sum(p, axis=1, keepdims=True)
    pm = jnp.max(p, axis=1, keepdims=True)
    ids = lax.broadcasted_iota(jnp.int32, p.shape, 1)
    sel = jnp.min(jnp.where(p >= pm, ids, NUM_EXPERTS), axis=1, keepdims=True)

    oh = (ids == sel).astype(jnp.float32)
    ri = lax.broadcasted_iota(jnp.int32, (_RBT, _RBT), 0)
    rj = lax.broadcasted_iota(jnp.int32, (_RBT, _RBT), 1)
    ltri = (ri > rj).astype(jnp.float32)
    cum = lax.dot_general(ltri, oh, (((1,), (0,)), ((), ())),
                          preferred_element_type=jnp.float32)
    carry_f = carry_ref[...].astype(jnp.float32)
    rank = jnp.sum((cum + carry_f) * oh, axis=1, keepdims=True)

    tb = pl.multiple_of(t * _RBT, _RBT)
    sel_all[pl.ds(tb, _RBT), :] = sel
    rank_all[pl.ds(tb, _RBT), :] = rank.astype(jnp.int32)
    carry_ref[...] = carry_ref[...] + jnp.sum(
        oh, axis=0, keepdims=True).astype(jnp.int32)

    @pl.when(t == TOKENS // _RBT - 1)
    def _():
        counts = carry_ref[...]
        pc = ((counts + PAD8 - 1) // PAD8 * PAD8).astype(jnp.float32)
        ei = lax.broadcasted_iota(jnp.int32, (NUM_EXPERTS, NUM_EXPERTS), 0)
        ej = lax.broadcasted_iota(jnp.int32, (NUM_EXPERTS, NUM_EXPERTS), 1)
        excl = (ei < ej).astype(jnp.float32)
        incl = (ei <= ej).astype(jnp.float32)
        nn = (((1,), (0,)), ((), ()))
        poff = lax.dot_general(pc, excl, nn,
                               preferred_element_type=jnp.float32)
        tiles = ((counts + BLK - 1) // BLK).astype(jnp.float32)
        tcum = lax.dot_general(tiles, incl, nn,
                               preferred_element_type=jnp.float32)
        total = jnp.sum(tiles, axis=1, keepdims=True)

        ids_all = lax.broadcasted_iota(jnp.int32, (TOKENS, NUM_EXPERTS), 1)
        oh_all = (ids_all == sel_all[...]).astype(jnp.float32)
        slot_ref[...] = (jnp.sum(oh_all * poff, axis=1, keepdims=True)
                         .astype(jnp.int32) + rank_all[...])

        tq = lax.broadcasted_iota(jnp.int32, (_TBL, 1), 0)
        tqf = tq.astype(jnp.float32)
        e_raw = jnp.sum((tqf >= tcum).astype(jnp.float32),
                        axis=1, keepdims=True).astype(jnp.int32)
        e_cl = jnp.minimum(e_raw, NUM_EXPERTS - 1)
        ohe = (lax.broadcasted_iota(jnp.int32, (_TBL, NUM_EXPERTS), 1)
               == e_cl).astype(jnp.float32)

        def pick(row):
            return jnp.sum(ohe * row, axis=1, keepdims=True)

        tcum_t = pick(tcum)
        tiles_t = pick(tiles)
        poff_t = pick(poff)
        cnt_t = pick(counts.astype(jnp.float32))
        i_t = tqf - (tcum_t - tiles_t)
        s_t = (poff_t + i_t * BLK).astype(jnp.int32)
        valid = jnp.clip((cnt_t - i_t * BLK).astype(jnp.int32), 0, BLK)
        c_t = jnp.minimum(s_t, TOKENS_PAD - BLK)
        lo = s_t - c_t
        hi = lo + valid
        is_pad = tqf >= total
        eids = lax.broadcasted_iota(jnp.int32, (1, NUM_EXPERTS), 1)
        e_last = jnp.max(jnp.where(counts > 0, eids, 0))
        tbl_ref[pl.ds(0 * _TBL, _TBL), :] = jnp.where(is_pad, e_last, e_cl)
        tbl_ref[pl.ds(1 * _TBL, _TBL), :] = jnp.where(is_pad, 0, c_t)
        tbl_ref[pl.ds(2 * _TBL, _TBL), :] = jnp.where(is_pad, 0, lo)
        tbl_ref[pl.ds(3 * _TBL, _TBL), :] = jnp.where(is_pad, 0, hi)


def _router(x, router_w):
    return pl.pallas_call(
        _router_body,
        grid=(TOKENS // _RBT,),
        in_specs=[
            pl.BlockSpec((_RBT, MODEL_DIM), lambda t: (t, 0)),
            pl.BlockSpec((NUM_EXPERTS, MODEL_DIM), lambda t: (0, 0)),
        ],
        out_specs=[
            pl.BlockSpec((TOKENS, 1), lambda t: (0, 0)),
            pl.BlockSpec((4 * _TBL, 1), lambda t: (0, 0)),
        ],
        out_shape=[
            jax.ShapeDtypeStruct((TOKENS, 1), jnp.int32),
            jax.ShapeDtypeStruct((4 * _TBL, 1), jnp.int32),
        ],
        scratch_shapes=[
            pltpu.VMEM((1, NUM_EXPERTS), jnp.int32),
            pltpu.VMEM((TOKENS, 1), jnp.int32),
            pltpu.VMEM((TOKENS, 1), jnp.int32),
        ],
        compiler_params=pltpu.CompilerParams(
            dimension_semantics=("arbitrary",)),
    )(x, router_w)



_SC_CORES = 2
_SC_SUBCORES = 16
_SC_WORKERS = _SC_CORES * _SC_SUBCORES
_SC_CHUNK = 128


def _sc_gather_rows(table, idx):
    n_rows = idx.shape[0]
    assert n_rows % (_SC_WORKERS * PAD8) == 0
    rows_pw = n_rows // _SC_WORKERS
    subs = [_SC_CHUNK] * (rows_pw // _SC_CHUNK)
    if rows_pw % _SC_CHUNK:
        subs.append(rows_pw % _SC_CHUNK)
    mesh = plsc.VectorSubcoreMesh(core_axis_name="c", subcore_axis_name="s")

    @functools.partial(
        pl.kernel,
        mesh=mesh,
        out_type=jax.ShapeDtypeStruct((n_rows, MODEL_DIM), jnp.float32),
        scratch_types=[
            *[pltpu.VMEM((s,), jnp.int32) for s in subs],
            pltpu.VMEM((rows_pw, MODEL_DIM), jnp.float32),
            pltpu.SemaphoreType.DMA,
        ],
    )
    def k(table_hbm, idx_hbm, out_hbm, *refs):
        idx_vs = refs[:len(subs)]
        rows_v, sem = refs[len(subs)], refs[len(subs) + 1]
        wid = lax.axis_index("s") * _SC_CORES + lax.axis_index("c")
        base = wid * rows_pw
        copies = []
        off = 0
        for s, idx_v in zip(subs, idx_vs):
            pltpu.sync_copy(idx_hbm.at[pl.ds(base + off, s)], idx_v)
            copies.append(
                pltpu.async_copy(table_hbm.at[idx_v],
                                 rows_v.at[pl.ds(off, s)], sem))
            off += s
        for c in copies:
            c.wait()
        pltpu.sync_copy(rows_v, out_hbm.at[pl.ds(base, rows_pw)])

    return k(table, idx)


def _sc_scatter_rows(x, slot):
    rows_pw = TOKENS // _SC_WORKERS
    mesh = plsc.VectorSubcoreMesh(core_axis_name="c", subcore_axis_name="s")

    @functools.partial(
        pl.kernel,
        mesh=mesh,
        out_type=jax.ShapeDtypeStruct((TOKENS_PAD, MODEL_DIM), jnp.float32),
        scratch_types=[
            pltpu.VMEM((rows_pw, MODEL_DIM), jnp.float32),
            pltpu.VMEM((rows_pw,), jnp.int32),
            pltpu.SemaphoreType.DMA,
        ],
    )
    def k(x_hbm, slot_hbm, xs_hbm, rows_v, slot_v, sem):
        wid = lax.axis_index("s") * _SC_CORES + lax.axis_index("c")
        base = wid * rows_pw
        cp_rows = pltpu.async_copy(x_hbm.at[pl.ds(base, rows_pw)], rows_v, sem)
        pltpu.sync_copy(slot_hbm.at[pl.ds(base, rows_pw)], slot_v)
        cp_rows.wait()
        pltpu.async_copy(rows_v, xs_hbm.at[slot_v], sem).wait()

    return k(x, slot)



def _gemm_body(e_ref, c_ref, lo_ref, hi_ref,
               xs_ref, w1_ref, w3_ref, w2_ref, out_ref):
    t = pl.program_id(0)
    c = pl.multiple_of(c_ref[t], PAD8)
    lo = lo_ref[t]
    hi = hi_ref[t]

    @pl.when(hi > lo)
    def _():
        xb = xs_ref[pl.ds(c, BLK), :]
        w1e = w1_ref[0]
        w3e = w3_ref[0]
        w2e = w2_ref[0]
        nt = (((1,), (1,)), ((), ()))
        a = lax.dot_general(xb, w1e, nt, preferred_element_type=jnp.float32)
        b = lax.dot_general(xb, w3e, nt, preferred_element_type=jnp.float32)
        h = (a * jax.nn.sigmoid(a)) * b
        ob = lax.dot_general(h, w2e, nt, preferred_element_type=jnp.float32)
        rows = lax.broadcasted_iota(jnp.int32, (BLK, 1), 0)
        keep = (rows >= lo) & (rows < hi)
        cur = out_ref[pl.ds(c, BLK), :]
        out_ref[pl.ds(c, BLK), :] = jnp.where(keep, ob, cur)


def _grouped_gemm(e_arr, c_arr, lo_arr, hi_arr, xs, w1, w3, w2):
    spec = pltpu.PrefetchScalarGridSpec(
        num_scalar_prefetch=4,
        grid=(MAX_TILES,),
        in_specs=[
            pl.BlockSpec((TOKENS_PAD, MODEL_DIM), lambda t, e, c, l, h: (0, 0)),
            pl.BlockSpec((1, EXPERT_DIM, MODEL_DIM),
                         lambda t, e, c, l, h: (e[t], 0, 0)),
            pl.BlockSpec((1, EXPERT_DIM, MODEL_DIM),
                         lambda t, e, c, l, h: (e[t], 0, 0)),
            pl.BlockSpec((1, MODEL_DIM, EXPERT_DIM),
                         lambda t, e, c, l, h: (e[t], 0, 0)),
        ],
        out_specs=pl.BlockSpec((TOKENS_PAD, MODEL_DIM),
                               lambda t, e, c, l, h: (0, 0)),
    )
    return pl.pallas_call(
        _gemm_body,
        grid_spec=spec,
        out_shape=jax.ShapeDtypeStruct((TOKENS_PAD, MODEL_DIM), jnp.float32),
        compiler_params=pltpu.CompilerParams(
            dimension_semantics=("arbitrary",)),
    )(e_arr, c_arr, lo_arr, hi_arr, xs, w1, w3, w2)



def kernel(x, router_w, w1, w2, w3):
    slot4, tbl = _router(x, router_w)
    slot = slot4.reshape(TOKENS)
    tbl = tbl.reshape(4 * _TBL)

    xs = _sc_scatter_rows(x, slot)
    os_ = _grouped_gemm(tbl[:_TBL], tbl[_TBL:2 * _TBL],
                        tbl[2 * _TBL:3 * _TBL], tbl[3 * _TBL:],
                        xs, w1, w3, w2)
    return _sc_gather_rows(os_, slot)

# --- scband reference (transcript-rebuilt; emitter-appended) ---
"""Pipeline reference for scband-mo-efeed-forward-11991548690548 (READ-ONLY COPY).

The authoritative reference and input builder live on the scoring server;
editing this copy changes nothing except your own understanding.
"""

import jax, jax.numpy as jnp
import numpy as np

NUM_EXPERTS = 64
TOP_K = 1
MODEL_DIM = 768
EXPERT_DIM = 768
TOKENS = 4096


def setup_inputs(seed: int = 0) -> dict:
    key = jax.random.key(seed)
    ks = jax.random.split(key, 5)
    x = jax.random.normal(ks[0], (TOKENS, MODEL_DIM), dtype=jnp.float32)
    router_w = jax.random.normal(ks[1], (NUM_EXPERTS, MODEL_DIM), dtype=jnp.float32) * 0.02
    w1 = jax.random.normal(ks[2], (NUM_EXPERTS, EXPERT_DIM, MODEL_DIM), dtype=jnp.float32) * 0.02
    w3 = jax.random.normal(ks[3], (NUM_EXPERTS, EXPERT_DIM, MODEL_DIM), dtype=jnp.float32) * 0.02
    w2 = jax.random.normal(ks[4], (NUM_EXPERTS, MODEL_DIM, EXPERT_DIM), dtype=jnp.float32) * 0.02
    return {"x": x, "router_w": router_w, "w1": w1, "w2": w2, "w3": w3}


def reference(x, router_w, w1, w2, w3):
    # Router: logits -> float32 softmax -> top_k -> renormalize (Mixtral-style)
    router_logits = x @ router_w.T
    routing_weights = jax.nn.softmax(router_logits.astype(jnp.float32), axis=1)
    vals, selected_experts = jax.lax.top_k(routing_weights, TOP_K)
    vals = vals / jnp.sum(vals, axis=-1, keepdims=True)
    vals = vals.astype(x.dtype)

    # Expert loop with gather/compute/scatter-add, mirroring GLUMLP (SwiGLU experts)
    def body(out, inputs):
        w1e, w2e, w3e, e = inputs
        gate = jnp.sum(jnp.where(selected_experts == e, vals, jnp.zeros_like(vals)), axis=1)
        h = jax.nn.silu(x @ w1e.T) * (x @ w3e.T)
        oe = (h @ w2e.T) * gate[:, None]
        return out + oe, None

    out, _ = jax.lax.scan(
        body,
        jnp.zeros_like(x),
        (w1, w2, w3, jnp.arange(NUM_EXPERTS, dtype=selected_experts.dtype)),
    )
    return out

if __name__ == "__main__":
    import jax
    _d = setup_inputs()
    print(jax.jit(kernel)(*tuple(_d.values())))

</pallas_src>

<mosaic_0001>
#map = affine_map<(d0, d1) -> (0, 0)>
#map1 = affine_map<(d0, d1) -> (0)>
module attributes {stable_mosaic.version = 14 : i64} {
  func.func @k(%arg0: i32, %arg1: i32, %arg2: memref<4608x768xf32, #tpu.memory_space<hbm>>, %arg3: memref<4096xi32, #tpu.memory_space<hbm>>, %arg4: memref<4096x768xf32, #tpu.memory_space<hbm>>, %arg5: memref<128xi32, #tpu.memory_space<vmem>>, %arg6: memref<128x768xf32, #tpu.memory_space<vmem>>, %arg7: memref<!tpu.dma_semaphore, #tpu.memory_space<semaphore_mem>>) attributes {dimension_semantics = [#tpu.dimension_semantics<core_parallel>, #tpu.dimension_semantics<subcore_parallel>], iteration_bounds = array<i64: 2, 16>, scalar_prefetch = 0 : i64, scratch_operands = 3 : i64, tpu.core_type = #tpu.core_type<sc_vector_subcore>, window_params = [{transform_indices = #map}, {transform_indices = #map1}, {transform_indices = #map}]} {
    %mul3A = arith.constant 2 : i32
    %mul3A_0 = arith.muli %arg1, %mul3A : i32
    %add3A = arith.addi %mul3A_0, %arg0 : i32
    %mul3A_1 = arith.constant 128 : i32
    %mul3A_2 = arith.muli %add3A, %mul3A_1 : i32
    %add3A_3 = arith.constant 0 : i32
    %add3A_4 = arith.addi %mul3A_2, %add3A_3 : i32
    "tpu.region"() ({
      %run_scoped3A = tpu.sem_alloc : memref<!tpu.dma_semaphore, #tpu.memory_space<semaphore_mem>>
      %dma_start3A_15 = tpu.memref_slice %arg3[%add3A_4] : memref<4096xi32, #tpu.memory_space<hbm>> -> memref<128xi32, #tpu.memory_space<hbm>>
      %dma_start3A_16 = tpu.memref_slice %arg3[%add3A_4] : memref<4096xi32, #tpu.memory_space<hbm>> -> memref<128xi32, #tpu.memory_space<hbm>>
      tpu.enqueue_dma source(%dma_start3A_16 : memref<128xi32, #tpu.memory_space<hbm>>) target(%arg5 : memref<128xi32, #tpu.memory_space<vmem>>) target_semaphore(%run_scoped3A : memref<!tpu.dma_semaphore, #tpu.memory_space<semaphore_mem>>)
      %dma_wait3A_17 = tpu.memref_slice %arg3[%add3A_4] : memref<4096xi32, #tpu.memory_space<hbm>> -> memref<128xi32, #tpu.memory_space<hbm>>
      %dma_wait3A_18 = tpu.memref_slice %arg3[%add3A_4] : memref<4096xi32, #tpu.memory_space<hbm>> -> memref<128xi32, #tpu.memory_space<hbm>>
      tpu.wait_dma2 semaphore(%run_scoped3A : memref<!tpu.dma_semaphore, #tpu.memory_space<semaphore_mem>>) src(%dma_wait3A_18 : memref<128xi32, #tpu.memory_space<hbm>>) dst(%arg5 : memref<128xi32, #tpu.memory_space<vmem>>)
      tpu.yield
    }) : () -> ()
    %dma_start3A = arith.constant 0 : i32
    %dma_start3A_5 = arith.constant 0 : i32
    %dma_start3A_6 = tpu.memref_slice %arg6[%dma_start3A, %dma_start3A_5] : memref<128x768xf32, #tpu.memory_space<vmem>> -> memref<128x768xf32, #tpu.memory_space<vmem>>
    %dma_start3A_7 = arith.constant 0 : i32
    %dma_start3A_8 = arith.constant 0 : i32
    %dma_start3A_9 = tpu.memref_slice %arg2[%dma_start3A_7, %dma_start3A_8] : memref<4608x768xf32, #tpu.memory_space<hbm>> -> memref<4608x768xf32, #tpu.memory_space<hbm>>
    tpu.enqueue_indirect_dma source(%dma_start3A_9 : memref<4608x768xf32, #tpu.memory_space<hbm>>) target(%dma_start3A_6 : memref<128x768xf32, #tpu.memory_space<vmem>>) offsets(%arg5 : memref<128xi32, #tpu.memory_space<vmem>>) semaphore(%arg7 : memref<!tpu.dma_semaphore, #tpu.memory_space<semaphore_mem>>)
    %dma_wait3A = arith.constant 0 : i32
    %dma_wait3A_10 = arith.constant 0 : i32
    %dma_wait3A_11 = tpu.memref_slice %arg6[%dma_wait3A, %dma_wait3A_10] : memref<128x768xf32, #tpu.memory_space<vmem>> -> memref<128x768xf32, #tpu.memory_space<vmem>>
    %dma_wait3A_12 = arith.constant 0 : i32
    %dma_wait3A_13 = arith.constant 0 : i32
    %dma_wait3A_14 = tpu.memref_slice %arg2[%dma_wait3A_12, %dma_wait3A_13] : memref<4608x768xf32, #tpu.memory_space<hbm>> -> memref<4608x768xf32, #tpu.memory_space<hbm>>
    tpu.wait_indirect_dma semaphore(%arg7 : memref<!tpu.dma_semaphore, #tpu.memory_space<semaphore_mem>>) src(%dma_wait3A_14 : memref<4608x768xf32, #tpu.memory_space<hbm>>) dst(%dma_wait3A_11 : memref<128x768xf32, #tpu.memory_space<vmem>>)
    "tpu.region"() ({
      %run_scoped3A = tpu.sem_alloc : memref<!tpu.dma_semaphore, #tpu.memory_space<semaphore_mem>>
      %dma_start3A_15 = arith.constant 0 : i32
      %dma_start3A_16 = tpu.memref_slice %arg4[%mul3A_2, %dma_start3A_15] : memref<4096x768xf32, #tpu.memory_space<hbm>> -> memref<128x768xf32, #tpu.memory_space<hbm>>
      %dma_start3A_17 = arith.constant 0 : i32
      %dma_start3A_18 = tpu.memref_slice %arg4[%mul3A_2, %dma_start3A_17] : memref<4096x768xf32, #tpu.memory_space<hbm>> -> memref<128x768xf32, #tpu.memory_space<hbm>>
      tpu.enqueue_dma source(%arg6 : memref<128x768xf32, #tpu.memory_space<vmem>>) target(%dma_start3A_18 : memref<128x768xf32, #tpu.memory_space<hbm>>) target_semaphore(%run_scoped3A : memref<!tpu.dma_semaphore, #tpu.memory_space<semaphore_mem>>)
      %dma_wait3A_19 = arith.constant 0 : i32
      %dma_wait3A_20 = tpu.memref_slice %arg4[%mul3A_2, %dma_wait3A_19] : memref<4096x768xf32, #tpu.memory_space<hbm>> -> memref<128x768xf32, #tpu.memory_space<hbm>>
      %dma_wait3A_21 = arith.constant 0 : i32
      %dma_wait3A_22 = tpu.memref_slice %arg4[%mul3A_2, %dma_wait3A_21] : memref<4096x768xf32, #tpu.memory_space<hbm>> -> memref<128x768xf32, #tpu.memory_space<hbm>>
      tpu.wait_dma2 semaphore(%run_scoped3A : memref<!tpu.dma_semaphore, #tpu.memory_space<semaphore_mem>>) src(%arg6 : memref<128x768xf32, #tpu.memory_space<vmem>>) dst(%dma_wait3A_22 : memref<128x768xf32, #tpu.memory_space<hbm>>)
      tpu.yield
    }) : () -> ()
    return
  }
}

#map = affine_map<(d0, d1) -> (0, 0)>
#map1 = affine_map<(d0, d1) -> (0)>
module attributes {stable_mosaic.version = 14 : i64} {
  func.func @k(%arg0: i32, %arg1: i32, %arg2: memref<4096x768xf32, #tpu.memory_space<hbm>>, %arg3: memref<4096xi32, #tpu.memory_space<hbm>>, %arg4: memref<4608x768xf32, #tpu.memory_space<hbm>>, %arg5: memref<128x768xf32, #tpu.memory_space<vmem>>, %arg6: memref<128xi32, #tpu.memory_space<vmem>>, %arg7: memref<!tpu.dma_semaphore, #tpu.memory_space<semaphore_mem>>) attributes {dimension_semantics = [#tpu.dimension_semantics<core_parallel>, #tpu.dimension_semantics<subcore_parallel>], iteration_bounds = array<i64: 2, 16>, scalar_prefetch = 0 : i64, scratch_operands = 3 : i64, tpu.core_type = #tpu.core_type<sc_vector_subcore>, window_params = [{transform_indices = #map}, {transform_indices = #map1}, {transform_indices = #map}]} {
    %mul3A = arith.constant 2 : i32
    %mul3A_0 = arith.muli %arg1, %mul3A : i32
    %add3A = arith.addi %mul3A_0, %arg0 : i32
    %mul3A_1 = arith.constant 128 : i32
    %mul3A_2 = arith.muli %add3A, %mul3A_1 : i32
    %dma_start3A = arith.constant 0 : i32
    %dma_start3A_3 = tpu.memref_slice %arg2[%mul3A_2, %dma_start3A] : memref<4096x768xf32, #tpu.memory_space<hbm>> -> memref<128x768xf32, #tpu.memory_space<hbm>>
    %dma_start3A_4 = arith.constant 0 : i32
    %dma_start3A_5 = tpu.memref_slice %arg2[%mul3A_2, %dma_start3A_4] : memref<4096x768xf32, #tpu.memory_space<hbm>> -> memref<128x768xf32, #tpu.memory_space<hbm>>
    tpu.enqueue_dma source(%dma_start3A_5 : memref<128x768xf32, #tpu.memory_space<hbm>>) target(%arg5 : memref<128x768xf32, #tpu.memory_space<vmem>>) target_semaphore(%arg7 : memref<!tpu.dma_semaphore, #tpu.memory_space<semaphore_mem>>)
    "tpu.region"() ({
      %run_scoped3A = tpu.sem_alloc : memref<!tpu.dma_semaphore, #tpu.memory_space<semaphore_mem>>
      %dma_start3A_15 = tpu.memref_slice %arg3[%mul3A_2] : memref<4096xi32, #tpu.memory_space<hbm>> -> memref<128xi32, #tpu.memory_space<hbm>>
      %dma_start3A_16 = tpu.memref_slice %arg3[%mul3A_2] : memref<4096xi32, #tpu.memory_space<hbm>> -> memref<128xi32, #tpu.memory_space<hbm>>
      tpu.enqueue_dma source(%dma_start3A_16 : memref<128xi32, #tpu.memory_space<hbm>>) target(%arg6 : memref<128xi32, #tpu.memory_space<vmem>>) target_semaphore(%run_scoped3A : memref<!tpu.dma_semaphore, #tpu.memory_space<semaphore_mem>>)
      %dma_wait3A_17 = tpu.memref_slice %arg3[%mul3A_2] : memref<4096xi32, #tpu.memory_space<hbm>> -> memref<128xi32, #tpu.memory_space<hbm>>
      %dma_wait3A_18 = tpu.memref_slice %arg3[%mul3A_2] : memref<4096xi32, #tpu.memory_space<hbm>> -> memref<128xi32, #tpu.memory_space<hbm>>
      tpu.wait_dma2 semaphore(%run_scoped3A : memref<!tpu.dma_semaphore, #tpu.memory_space<semaphore_mem>>) src(%dma_wait3A_18 : memref<128xi32, #tpu.memory_space<hbm>>) dst(%arg6 : memref<128xi32, #tpu.memory_space<vmem>>)
      tpu.yield
    }) : () -> ()
    %dma_wait3A = arith.constant 0 : i32
    %dma_wait3A_6 = tpu.memref_slice %arg2[%mul3A_2, %dma_wait3A] : memref<4096x768xf32, #tpu.memory_space<hbm>> -> memref<128x768xf32, #tpu.memory_space<hbm>>
    %dma_wait3A_7 = arith.constant 0 : i32
    %dma_wait3A_8 = tpu.memref_slice %arg2[%mul3A_2, %dma_wait3A_7] : memref<4096x768xf32, #tpu.memory_space<hbm>> -> memref<128x768xf32, #tpu.memory_space<hbm>>
    tpu.wait_dma2 semaphore(%arg7 : memref<!tpu.dma_semaphore, #tpu.memory_space<semaphore_mem>>) src(%dma_wait3A_8 : memref<128x768xf32, #tpu.memory_space<hbm>>) dst(%arg5 : memref<128x768xf32, #tpu.memory_space<vmem>>)
    %dma_start3A_9 = arith.constant 0 : i32
    %dma_start3A_10 = arith.constant 0 : i32
    %dma_start3A_11 = tpu.memref_slice %arg4[%dma_start3A_9, %dma_start3A_10] : memref<4608x768xf32, #tpu.memory_space<hbm>> -> memref<4608x768xf32, #tpu.memory_space<hbm>>
    tpu.enqueue_indirect_dma source(%arg5 : memref<128x768xf32, #tpu.memory_space<vmem>>) target(%dma_start3A_11 : memref<4608x768xf32, #tpu.memory_space<hbm>>) offsets(%arg6 : memref<128xi32, #tpu.memory_space<vmem>>) semaphore(%arg7 : memref<!tpu.dma_semaphore, #tpu.memory_space<semaphore_mem>>)
    %dma_wait3A_12 = arith.constant 0 : i32
    %dma_wait3A_13 = arith.constant 0 : i32
    %dma_wait3A_14 = tpu.memref_slice %arg4[%dma_wait3A_12, %dma_wait3A_13] : memref<4608x768xf32, #tpu.memory_space<hbm>> -> memref<4608x768xf32, #tpu.memory_space<hbm>>
    tpu.wait_indirect_dma semaphore(%arg7 : memref<!tpu.dma_semaphore, #tpu.memory_space<semaphore_mem>>) src(%arg5 : memref<128x768xf32, #tpu.memory_space<vmem>>) dst(%dma_wait3A_14 : memref<4608x768xf32, #tpu.memory_space<hbm>>)
    return
  }
}

module attributes {stable_mosaic.version = 14 : i64} {
  func.func @_router_body(%arg0: i32, %arg1: memref<512x768xf32, #tpu.memory_space<vmem>>, %arg2: memref<64x768xf32, #tpu.memory_space<vmem>>, %arg3: memref<4096x1xi32, #tpu.memory_space<vmem>>, %arg4: memref<512x1xi32, #tpu.memory_space<vmem>>, %arg5: memref<1x64xi32, #tpu.memory_space<vmem>>, %arg6: memref<4096x1xi32, #tpu.memory_space<vmem>>, %arg7: memref<4096x1xi32, #tpu.memory_space<vmem>>) attributes {dimension_semantics = [#tpu.dimension_semantics<arbitrary>], iteration_bounds = array<i64: 8>, scalar_prefetch = 0 : i64, scratch_operands = 3 : i64, tpu.core_type = #tpu.core_type<tc>, window_params = [{transform_indices = @transform_0, window_bounds = array<i64: 512, 768>}, {pipeline_mode = #tpu.pipeline_mode<synchronous>, transform_indices = @transform_1, window_bounds = array<i64: 64, 768>}, {pipeline_mode = #tpu.pipeline_mode<synchronous>, transform_indices = @transform_2, window_bounds = array<i64: 4096, 1>}, {pipeline_mode = #tpu.pipeline_mode<synchronous>, transform_indices = @transform_3, window_bounds = array<i64: 512, 1>}]} {
    %eq3A = arith.constant 0 : i32
    %eq3A_0 = arith.cmpi eq, %arg0, %eq3A : i32
    %convert_element_type3A = arith.extui %eq3A_0 : i1 to i32
    %cond3A = arith.constant 0 : i32
    %cond3A_1 = arith.cmpi ne, %convert_element_type3A, %cond3A : i32
    scf.if %cond3A_1 {
      %broadcast_in_dim3A_62 = arith.constant 0 : i32
      %broadcast_in_dim3A_63 = vector.broadcast %broadcast_in_dim3A_62 : i32 to vector<1x64xi32>
      %swap3A_64 = arith.constant 0 : index
      %swap3A_65 = arith.constant 0 : index
      %swap3A_66 = vector.load %arg5[%swap3A_64, %swap3A_65] : memref<1x64xi32, #tpu.memory_space<vmem>>, vector<1x64xi32>
      tpu.vector_store %arg5[%swap3A_64, %swap3A_65], %broadcast_in_dim3A_63 {strides = array<i32>} : memref<1x64xi32, #tpu.memory_space<vmem>>, vector<1x64xi32>,
    } else {
    }
    %get3A = arith.constant 0 : index
    %get3A_2 = arith.constant 0 : index
    %get3A_3 = vector.load %arg1[%get3A, %get3A_2] : memref<512x768xf32, #tpu.memory_space<vmem>>, vector<512x768xf32>
    %get3A_4 = arith.constant 0 : index
    %get3A_5 = arith.constant 0 : index
    %get3A_6 = vector.load %arg2[%get3A_4, %get3A_5] : memref<64x768xf32, #tpu.memory_space<vmem>>, vector<64x768xf32>
    %dot_general3A = arith.constant dense<0.000000e+00> : vector<512x64xf32>
    %dot_general3A_7 = tpu.matmul %get3A_3, %get3A_6, %dot_general3A {dimension_numbers = #tpu.dot_dimension_numbers<[1], [1], [0], [0], [0, 0, 1, 0], [], []>, transpose_lhs_hint = false} : vector<512x768xf32>, vector<64x768xf32>, vector<512x64xf32> -> vector<512x64xf32>
    %reduce_max3A = arith.constant dense<0xFF800000> : vector<512xf32>
    %reduce_max3A_8 = vector.multi_reduction <maximumf>, %dot_general3A_7, %reduce_max3A [1] : vector<512x64xf32> to vector<512xf32>
    %broadcast_in_dim3A = vector.shape_cast %reduce_max3A_8 : vector<512xf32> to vector<512x1xf32>
    %sub3A = vector.broadcast %broadcast_in_dim3A : vector<512x1xf32> to vector<512x64xf32>
    %sub3A_9 = arith.subf %dot_general3A_7, %sub3A : vector<512x64xf32>
    %exp3A = math.exp %sub3A_9 : vector<512x64xf32>
    %reduce_sum3A = arith.constant dense<0.000000e+00> : vector<512xf32>
    %reduce_sum3A_10 = vector.multi_reduction <add>, %exp3A, %reduce_sum3A [1] : vector<512x64xf32> to vector<512xf32>
    %broadcast_in_dim3A_11 = vector.shape_cast %reduce_sum3A_10 : vector<512xf32> to vector<512x1xf32>
    %div3A = vector.broadcast %broadcast_in_dim3A_11 : vector<512x1xf32> to vector<512x64xf32>
    %div3A_12 = arith.divf %exp3A, %div3A : vector<512x64xf32>
    %reduce_max3A_13 = arith.constant dense<0xFF800000> : vector<512xf32>
    %reduce_max3A_14 = vector.multi_reduction <maximumf>, %div3A_12, %reduce_max3A_13 [1] : vector<512x64xf32> to vector<512xf32>
    %broadcast_in_dim3A_15 = vector.shape_cast %reduce_max3A_14 : vector<512xf32> to vector<512x1xf32>
    %iota3A = tpu.iota {dimensions = array<i32: 1>} : vector<512x64xi32>
    %ge3A = vector.broadcast %broadcast_in_dim3A_15 : vector<512x1xf32> to vector<512x64xf32>
    %ge3A_16 = arith.cmpf oge, %div3A_12, %ge3A : vector<512x64xf32>
    %jit3A = arith.constant 64 : i32
    %broadcast_in_dim3A_17 = vector.broadcast %jit3A : i32 to vector<512x64xi32>
    %select_n3A = arith.select %ge3A_16, %iota3A, %broadcast_in_dim3A_17 : vector<512x64xi1>, vector<512x64xi32>
    %reduce_min3A = arith.constant dense<2147483647> : vector<512xi32>
    %reduce_min3A_18 = vector.multi_reduction <minsi>, %select_n3A, %reduce_min3A [1] : vector<512x64xi32> to vector<512xi32>
    %broadcast_in_dim3A_19 = vector.shape_cast %reduce_min3A_18 : vector<512xi32> to vector<512x1xi32>
    %eq3A_20 = vector.broadcast %broadcast_in_dim3A_19 : vector<512x1xi32> to vector<512x64xi32>
    %eq3A_21 = arith.cmpi eq, %iota3A, %eq3A_20 : vector<512x64xi32>
    %convert_element_type3A_22 = arith.extui %eq3A_21 : vector<512x64xi1> to vector<512x64xi32>
    %convert_element_type3A_23 = arith.sitofp %convert_element_type3A_22 : vector<512x64xi32> to vector<512x64xf32>
    %iota3A_24 = tpu.iota {dimensions = array<i32: 0>} : vector<512x512xi32>
    %iota3A_25 = tpu.iota {dimensions = array<i32: 1>} : vector<512x512xi32>
    %gt3A = arith.cmpi sgt, %iota3A_24, %iota3A_25 : vector<512x512xi32>
    %convert_element_type3A_26 = arith.extui %gt3A : vector<512x512xi1> to vector<512x512xi32>
    %convert_element_type3A_27 = arith.sitofp %convert_element_type3A_26 : vector<512x512xi32> to vector<512x512xf32>
    %dot_general3A_28 = arith.constant dense<0.000000e+00> : vector<512x64xf32>
    %dot_general3A_29 = tpu.matmul %convert_element_type3A_27, %convert_element_type3A_23, %dot_general3A_28 {dimension_numbers = #tpu.dot_dimension_numbers<[1], [0], [0], [1], [0, 0, 1, 1], [], []>, transpose_lhs_hint = false} : vector<512x512xf32>, vector<512x64xf32>, vector<512x64xf32> -> vector<512x64xf32>
    %get3A_30 = arith.constant 0 : index
    %get3A_31 = arith.constant 0 : index
    %get3A_32 = vector.load %arg5[%get3A_30, %get3A_31] : memref<1x64xi32, #tpu.memory_space<vmem>>, vector<1x64xi32>
    %convert_element_type3A_33 = arith.sitofp %get3A_32 : vector<1x64xi32> to vector<1x64xf32>
    %add3A = vector.broadcast %convert_element_type3A_33 : vector<1x64xf32> to vector<512x64xf32>
    %add3A_34 = arith.addf %dot_general3A_29, %add3A : vector<512x64xf32>
    %mul3A = arith.mulf %add3A_34, %convert_element_type3A_23 : vector<512x64xf32>
    %reduce_sum3A_35 = arith.constant dense<0.000000e+00> : vector<512xf32>
    %reduce_sum3A_36 = vector.multi_reduction <add>, %mul3A, %reduce_sum3A_35 [1] : vector<512x64xf32> to vector<512xf32>
    %broadcast_in_dim3A_37 = vector.shape_cast %reduce_sum3A_36 : vector<512xf32> to vector<512x1xf32>
    %mul3A_38 = arith.constant 512 : i32
    %mul3A_39 = arith.muli %arg0, %mul3A_38 : i32
    %multiple_of3A = tpu.assume_multiple %mul3A_39, 512 : i32
    %swap3A = arith.index_cast %multiple_of3A : i32 to index
    %swap3A_40 = arith.constant 0 : index
    %swap3A_41 = vector.load %arg6[%swap3A, %swap3A_40] : memref<4096x1xi32, #tpu.memory_space<vmem>>, vector<512x1xi32>
    tpu.vector_store %arg6[%swap3A, %swap3A_40], %broadcast_in_dim3A_19 {strides = array<i32>} : memref<4096x1xi32, #tpu.memory_space<vmem>>, vector<512x1xi32>,
    %convert_element_type3A_42 = arith.fptosi %broadcast_in_dim3A_37 : vector<512x1xf32> to vector<512x1xi32>
    %swap3A_43 = arith.index_cast %multiple_of3A : i32 to index
    %swap3A_44 = arith.constant 0 : index
    %swap3A_45 = vector.load %arg7[%swap3A_43, %swap3A_44] : memref<4096x1xi32, #tpu.memory_space<vmem>>, vector<512x1xi32>
    tpu.vector_store %arg7[%swap3A_43, %swap3A_44], %convert_element_type3A_42 {strides = array<i32>} : memref<4096x1xi32, #tpu.memory_space<vmem>>, vector<512x1xi32>,
    %get3A_46 = arith.constant 0 : index
    %get3A_47 = arith.constant 0 : index
    %get3A_48 = vector.load %arg5[%get3A_46, %get3A_47] : memref<1x64xi32, #tpu.memory_space<vmem>>, vector<1x64xi32>
    %reduce_sum3A_49 = arith.constant dense<0.000000e+00> : vector<64xf32>
    %reduce_sum3A_50 = vector.multi_reduction <add>, %convert_element_type3A_23, %reduce_sum3A_49 [0] : vector<512x64xf32> to vector<64xf32>
    %broadcast_in_dim3A_51 = vector.shape_cast %reduce_sum3A_50 : vector<64xf32> to vector<1x64xf32>
    %convert_element_type3A_52 = arith.fptosi %broadcast_in_dim3A_51 : vector<1x64xf32> to vector<1x64xi32>
    %add3A_53 = arith.addi %get3A_48, %convert_element_type3A_52 : vector<1x64xi32>
    %swap3A_54 = arith.constant 0 : index
    %swap3A_55 = arith.constant 0 : index
    %swap3A_56 = vector.load %arg5[%swap3A_54, %swap3A_55] : memref<1x64xi32, #tpu.memory_space<vmem>>, vector<1x64xi32>
    tpu.vector_store %arg5[%swap3A_54, %swap3A_55], %add3A_53 {strides = array<i32>} : memref<1x64xi32, #tpu.memory_space<vmem>>, vector<1x64xi32>,
    %eq3A_57 = arith.constant 7 : i32
    %eq3A_58 = arith.cmpi eq, %arg0, %eq3A_57 : i32
    %convert_element_type3A_59 = arith.extui %eq3A_58 : i1 to i32
    %cond3A_60 = arith.constant 0 : i32
    %cond3A_61 = arith.cmpi ne, %convert_element_type3A_59, %cond3A_60 : i32
    scf.if %cond3A_61 {
      %get3A_62 = arith.constant 0 : index
      %get3A_63 = arith.constant 0 : index
      %get3A_64 = vector.load %arg5[%get3A_62, %get3A_63] : memref<1x64xi32, #tpu.memory_space<vmem>>, vector<1x64xi32>
      %add3A_65 = arith.constant 8 : i32
      %add3A_66 = vector.broadcast %add3A_65 : i32 to vector<1x64xi32>
      %add3A_67 = arith.addi %get3A_64, %add3A_66 : vector<1x64xi32>
      %sub3A_68 = arith.constant 1 : i32
      %sub3A_69 = vector.broadcast %sub3A_68 : i32 to vector<1x64xi32>
      %sub3A_70 = arith.subi %add3A_67, %sub3A_69 : vector<1x64xi32>
      %jit3A_71 = arith.constant 8 : i32
      %div3A_72 = vector.broadcast %jit3A_71 : i32 to vector<1x64xi32>
      %div3A_73 = arith.divsi %sub3A_70, %div3A_72 : vector<1x64xi32>
      %sign3A = arith.constant 0 : i32
      %sign3A_74 = vector.broadcast %sign3A : i32 to vector<1x64xi32>
      %sign3A_75 = arith.cmpi sgt, %sub3A_70, %sign3A_74 : vector<1x64xi32>
      %sign3A_76 = arith.extui %sign3A_75 : vector<1x64xi1> to vector<1x64xi32>
      %sign3A_77 = arith.constant 0 : i32
      %sign3A_78 = vector.broadcast %sign3A_77 : i32 to vector<1x64xi32>
      %sign3A_79 = arith.cmpi slt, %sub3A_70, %sign3A_78 : vector<1x64xi32>
      %sign3A_80 = arith.extui %sign3A_79 : vector<1x64xi1> to vector<1x64xi32>
      %sign3A_81 = arith.subi %sign3A_76, %sign3A_80 : vector<1x64xi32>
      %sign3A_82 = arith.constant 0 : i32
      %sign3A_83 = arith.cmpi sgt, %jit3A_71, %sign3A_82 : i32
      %sign3A_84 = arith.extui %sign3A_83 : i1 to i32
      %sign3A_85 = arith.constant 0 : i32
      %sign3A_86 = arith.cmpi slt, %jit3A_71, %sign3A_85 : i32
      %sign3A_87 = arith.extui %sign3A_86 : i1 to i32
      %sign3A_88 = arith.subi %sign3A_84, %sign3A_87 : i32
      %ne3A = vector.broadcast %sign3A_88 : i32 to vector<1x64xi32>
      %ne3A_89 = arith.cmpi ne, %sign3A_81, %ne3A : vector<1x64xi32>
      %rem3A = vector.broadcast %jit3A_71 : i32 to vector<1x64xi32>
      %rem3A_90 = arith.remsi %sub3A_70, %rem3A : vector<1x64xi32>
      %ne3A_91 = arith.constant 0 : i32
      %ne3A_92 = vector.broadcast %ne3A_91 : i32 to vector<1x64xi32>
      %ne3A_93 = arith.cmpi ne, %rem3A_90, %ne3A_92 : vector<1x64xi32>
      %and3A = arith.andi %ne3A_89, %ne3A_93 : vector<1x64xi1>
      %sub3A_94 = arith.constant 1 : i32
      %sub3A_95 = vector.broadcast %sub3A_94 : i32 to vector<1x64xi32>
      %sub3A_96 = arith.subi %div3A_73, %sub3A_95 : vector<1x64xi32>
      %select_n3A_97 = arith.select %and3A, %sub3A_96, %div3A_73 : vector<1x64xi1>, vector<1x64xi32>
      %mul3A_98 = arith.constant 8 : i32
      %mul3A_99 = vector.broadcast %mul3A_98 : i32 to vector<1x64xi32>
      %mul3A_100 = arith.muli %select_n3A_97, %mul3A_99 : vector<1x64xi32>
      %convert_element_type3A_101 = arith.sitofp %mul3A_100 : vector<1x64xi32> to vector<1x64xf32>
      %iota3A_102 = tpu.iota {dimensions = array<i32: 0>} : vector<64x64xi32>
      %iota3A_103 = tpu.iota {dimensions = array<i32: 1>} : vector<64x64xi32>
      %lt3A = arith.cmpi slt, %iota3A_102, %iota3A_103 : vector<64x64xi32>
      %convert_element_type3A_104 = arith.extui %lt3A : vector<64x64xi1> to vector<64x64xi32>
      %convert_element_type3A_105 = arith.sitofp %convert_element_type3A_104 : vector<64x64xi32> to vector<64x64xf32>
      %le3A = arith.cmpi sle, %iota3A_102, %iota3A_103 : vector<64x64xi32>
      %convert_element_type3A_106 = arith.extui %le3A : vector<64x64xi1> to vector<64x64xi32>
      %convert_element_type3A_107 = arith.sitofp %convert_element_type3A_106 : vector<64x64xi32> to vector<64x64xf32>
      %dot_general3A_108 = arith.constant dense<0.000000e+00> : vector<1x64xf32>
      %dot_general3A_109 = tpu.matmul %convert_element_type3A_101, %convert_element_type3A_105, %dot_general3A_108 {dimension_numbers = #tpu.dot_dimension_numbers<[1], [0], [0], [1], [0, 0, 1, 1], [], []>, transpose_lhs_hint = false} : vector<1x64xf32>, vector<64x64xf32>, vector<1x64xf32> -> vector<1x64xf32>
      %add3A_110 = arith.constant 128 : i32
      %add3A_111 = vector.broadcast %add3A_110 : i32 to vector<1x64xi32>
      %add3A_112 = arith.addi %get3A_64, %add3A_111 : vector<1x64xi32>
      %sub3A_113 = arith.constant 1 : i32
      %sub3A_114 = vector.broadcast %sub3A_113 : i32 to vector<1x64xi32>
      %sub3A_115 = arith.subi %add3A_112, %sub3A_114 : vector<1x64xi32>
      %jit3A_116 = arith.constant 128 : i32
      %div3A_117 = vector.broadcast %jit3A_116 : i32 to vector<1x64xi32>
      %div3A_118 = arith.divsi %sub3A_115, %div3A_117 : vector<1x64xi32>
      %sign3A_119 = arith.constant 0 : i32
      %sign3A_120 = vector.broadcast %sign3A_119 : i32 to vector<1x64xi32>
      %sign3A_121 = arith.cmpi sgt, %sub3A_115, %sign3A_120 : vector<1x64xi32>
      %sign3A_122 = arith.extui %sign3A_121 : vector<1x64xi1> to vector<1x64xi32>
      %sign3A_123 = arith.constant 0 : i32
      %sign3A_124 = vector.broadcast %sign3A_123 : i32 to vector<1x64xi32>
      %sign3A_125 = arith.cmpi slt, %sub3A_115, %sign3A_124 : vector<1x64xi32>
      %sign3A_126 = arith.extui %sign3A_125 : vector<1x64xi1> to vector<1x64xi32>
      %sign3A_127 = arith.subi %sign3A_122, %sign3A_126 : vector<1x64xi32>
      %sign3A_128 = arith.constant 0 : i32
      %sign3A_129 = arith.cmpi sgt, %jit3A_116, %sign3A_128 : i32
      %sign3A_130 = arith.extui %sign3A_129 : i1 to i32
      %sign3A_131 = arith.constant 0 : i32
      %sign3A_132 = arith.cmpi slt, %jit3A_116, %sign3A_131 : i32
      %sign3A_133 = arith.extui %sign3A_132 : i1 to i32
      %sign3A_134 = arith.subi %sign3A_130, %sign3A_133 : i32
      %ne3A_135 = vector.broadcast %sign3A_134 : i32 to vector<1x64xi32>
      %ne3A_136 = arith.cmpi ne, %sign3A_127, %ne3A_135 : vector<1x64xi32>
      %rem3A_137 = vector.broadcast %jit3A_116 : i32 to vector<1x64xi32>
      %rem3A_138 = arith.remsi %sub3A_115, %rem3A_137 : vector<1x64xi32>
      %ne3A_139 = arith.constant 0 : i32
      %ne3A_140 = vector.broadcast %ne3A_139 : i32 to vector<1x64xi32>
      %ne3A_141 = arith.cmpi ne, %rem3A_138, %ne3A_140 : vector<1x64xi32>
      %and3A_142 = arith.andi %ne3A_136, %ne3A_141 : vector<1x64xi1>
      %sub3A_143 = arith.constant 1 : i32
      %sub3A_144 = vector.broadcast %sub3A_143 : i32 to vector<1x64xi32>
      %sub3A_145 = arith.subi %div3A_118, %sub3A_144 : vector<1x64xi32>
      %select_n3A_146 = arith.select %and3A_142, %sub3A_145, %div3A_118 : vector<1x64xi1>, vector<1x64xi32>
      %convert_element_type3A_147 = arith.sitofp %select_n3A_146 : vector<1x64xi32> to vector<1x64xf32>
      %dot_general3A_148 = arith.constant dense<0.000000e+00> : vector<1x64xf32>
      %dot_general3A_149 = tpu.matmul %convert_element_type3A_147, %convert_element_type3A_107, %dot_general3A_148 {dimension_numbers = #tpu.dot_dimension_numbers<[1], [0], [0], [1], [0, 0, 1, 1], [], []>, transpose_lhs_hint = false} : vector<1x64xf32>, vector<64x64xf32>, vector<1x64xf32> -> vector<1x64xf32>
      %reduce_sum3A_150 = arith.constant dense<0.000000e+00> : vector<1xf32>
      %reduce_sum3A_151 = vector.multi_reduction <add>, %convert_element_type3A_147, %reduce_sum3A_150 [1] : vector<1x64xf32> to vector<1xf32>
      %broadcast_in_dim3A_152 = vector.shape_cast %reduce_sum3A_151 : vector<1xf32> to vector<1x1xf32>
      %iota3A_153 = tpu.iota {dimensions = array<i32: 1>} : vector<4096x64xi32>
      %get3A_154 = arith.constant 0 : index
      %get3A_155 = arith.constant 0 : index
      %get3A_156 = vector.load %arg6[%get3A_154, %get3A_155] : memref<4096x1xi32, #tpu.memory_space<vmem>>, vector<4096x1xi32>
      %eq3A_157 = vector.broadcast %get3A_156 : vector<4096x1xi32> to vector<4096x64xi32>
      %eq3A_158 = arith.cmpi eq, %iota3A_153, %eq3A_157 : vector<4096x64xi32>
      %convert_element_type3A_159 = arith.extui %eq3A_158 : vector<4096x64xi1> to vector<4096x64xi32>
      %convert_element_type3A_160 = arith.sitofp %convert_element_type3A_159 : vector<4096x64xi32> to vector<4096x64xf32>
      %mul3A_161 = vector.broadcast %dot_general3A_109 : vector<1x64xf32> to vector<4096x64xf32>
      %mul3A_162 = arith.mulf %convert_element_type3A_160, %mul3A_161 : vector<4096x64xf32>
      %reduce_sum3A_163 = arith.constant dense<0.000000e+00> : vector<4096xf32>
      %reduce_sum3A_164 = vector.multi_reduction <add>, %mul3A_162, %reduce_sum3A_163 [1] : vector<4096x64xf32> to vector<4096xf32>
      %broadcast_in_dim3A_165 = vector.shape_cast %reduce_sum3A_164 : vector<4096xf32> to vector<4096x1xf32>
      %convert_element_type3A_166 = arith.fptosi %broadcast_in_dim3A_165 : vector<4096x1xf32> to vector<4096x1xi32>
      %get3A_167 = arith.constant 0 : index
      %get3A_168 = arith.constant 0 : index
      %get3A_169 = vector.load %arg7[%get3A_167, %get3A_168] : memref<4096x1xi32, #tpu.memory_space<vmem>>, vector<4096x1xi32>
      %add3A_170 = arith.addi %convert_element_type3A_166, %get3A_169 : vector<4096x1xi32>
      %swap3A_171 = arith.constant 0 : index
      %swap3A_172 = arith.constant 0 : index
      %swap3A_173 = vector.load %arg3[%swap3A_171, %swap3A_172] : memref<4096x1xi32, #tpu.memory_space<vmem>>, vector<4096x1xi32>
      tpu.vector_store %arg3[%swap3A_171, %swap3A_172], %add3A_170 {strides = array<i32>} : memref<4096x1xi32, #tpu.memory_space<vmem>>, vector<4096x1xi32>,
      %iota3A_174 = tpu.iota {dimensions = array<i32: 0>} : vector<128x1xi32>
      %convert_element_type3A_175 = arith.sitofp %iota3A_174 : vector<128x1xi32> to vector<128x1xf32>
      %ge3A_176 = vector.broadcast %convert_element_type3A_175 : vector<128x1xf32> to vector<128x64xf32>
      %ge3A_177 = vector.broadcast %dot_general3A_149 : vector<1x64xf32> to vector<128x64xf32>
      %ge3A_178 = arith.cmpf oge, %ge3A_176, %ge3A_177 : vector<128x64xf32>
      %convert_element_type3A_179 = arith.extui %ge3A_178 : vector<128x64xi1> to vector<128x64xi32>
      %convert_element_type3A_180 = arith.sitofp %convert_element_type3A_179 : vector<128x64xi32> to vector<128x64xf32>
      %reduce_sum3A_181 = arith.constant dense<0.000000e+00> : vector<128xf32>
      %reduce_sum3A_182 = vector.multi_reduction <add>, %convert_element_type3A_180, %reduce_sum3A_181 [1] : vector<128x64xf32> to vector<128xf32>
      %broadcast_in_dim3A_183 = vector.shape_cast %reduce_sum3A_182 : vector<128xf32> to vector<128x1xf32>
      %convert_element_type3A_184 = arith.fptosi %broadcast_in_dim3A_183 : vector<128x1xf32> to vector<128x1xi32>
      %min3A = arith.constant 63 : i32
      %min3A_185 = vector.broadcast %min3A : i32 to vector<128x1xi32>
      %min3A_186 = arith.minsi %convert_element_type3A_184, %min3A_185 : vector<128x1xi32>
      %iota3A_187 = tpu.iota {dimensions = array<i32: 1>} : vector<128x64xi32>
      %eq3A_188 = vector.broadcast %min3A_186 : vector<128x1xi32> to vector<128x64xi32>
      %eq3A_189 = arith.cmpi eq, %iota3A_187, %eq3A_188 : vector<128x64xi32>
      %convert_element_type3A_190 = arith.extui %eq3A_189 : vector<128x64xi1> to vector<128x64xi32>
      %convert_element_type3A_191 = arith.sitofp %convert_element_type3A_190 : vector<128x64xi32> to vector<128x64xf32>
      %mul3A_192 = vector.broadcast %dot_general3A_149 : vector<1x64xf32> to vector<128x64xf32>
      %mul3A_193 = arith.mulf %convert_element_type3A_191, %mul3A_192 : vector<128x64xf32>
      %reduce_sum3A_194 = arith.constant dense<0.000000e+00> : vector<128xf32>
      %reduce_sum3A_195 = vector.multi_reduction <add>, %mul3A_193, %reduce_sum3A_194 [1] : vector<128x64xf32> to vector<128xf32>
      %broadcast_in_dim3A_196 = vector.shape_cast %reduce_sum3A_195 : vector<128xf32> to vector<128x1xf32>
      %mul3A_197 = vector.broadcast %convert_element_type3A_147 : vector<1x64xf32> to vector<128x64xf32>
      %mul3A_198 = arith.mulf %convert_element_type3A_191, %mul3A_197 : vector<128x64xf32>
      %reduce_sum3A_199 = arith.constant dense<0.000000e+00> : vector<128xf32>
      %reduce_sum3A_200 = vector.multi_reduction <add>, %mul3A_198, %reduce_sum3A_199 [1] : vector<128x64xf32> to vector<128xf32>
      %broadcast_in_dim3A_201 = vector.shape_cast %reduce_sum3A_200 : vector<128xf32> to vector<128x1xf32>
      %mul3A_202 = vector.broadcast %dot_general3A_109 : vector<1x64xf32> to vector<128x64xf32>
      %mul3A_203 = arith.mulf %convert_element_type3A_191, %mul3A_202 : vector<128x64xf32>
      %reduce_sum3A_204 = arith.constant dense<0.000000e+00> : vector<128xf32>
      %reduce_sum3A_205 = vector.multi_reduction <add>, %mul3A_203, %reduce_sum3A_204 [1] : vector<128x64xf32> to vector<128xf32>
      %broadcast_in_dim3A_206 = vector.shape_cast %reduce_sum3A_205 : vector<128xf32> to vector<128x1xf32>
      %convert_element_type3A_207 = arith.sitofp %get3A_64 : vector<1x64xi32> to vector<1x64xf32>
      %mul3A_208 = vector.broadcast %convert_element_type3A_207 : vector<1x64xf32> to vector<128x64xf32>
      %mul3A_209 = arith.mulf %convert_element_type3A_191, %mul3A_208 : vector<128x64xf32>
      %reduce_sum3A_210 = arith.constant dense<0.000000e+00> : vector<128xf32>
      %reduce_sum3A_211 = vector.multi_reduction <add>, %mul3A_209, %reduce_sum3A_210 [1] : vector<128x64xf32> to vector<128xf32>
      %broadcast_in_dim3A_212 = vector.shape_cast %reduce_sum3A_211 : vector<128xf32> to vector<128x1xf32>
      %sub3A_213 = arith.subf %broadcast_in_dim3A_196, %broadcast_in_dim3A_201 : vector<128x1xf32>
      %sub3A_214 = arith.subf %convert_element_type3A_175, %sub3A_213 : vector<128x1xf32>
      %mul3A_215 = arith.constant 1.280000e+02 : f32
      %mul3A_216 = vector.broadcast %mul3A_215 : f32 to vector<128x1xf32>
      %mul3A_217 = arith.mulf %sub3A_214, %mul3A_216 : vector<128x1xf32>
      %add3A_218 = arith.addf %broadcast_in_dim3A_206, %mul3A_217 : vector<128x1xf32>
      %convert_element_type3A_219 = arith.fptosi %add3A_218 : vector<128x1xf32> to vector<128x1xi32>
      %mul3A_220 = arith.constant 1.280000e+02 : f32
      %mul3A_221 = vector.broadcast %mul3A_220 : f32 to vector<128x1xf32>
      %mul3A_222 = arith.mulf %sub3A_214, %mul3A_221 : vector<128x1xf32>
      %sub3A_223 = arith.subf %broadcast_in_dim3A_212, %mul3A_222 : vector<128x1xf32>
      %convert_element_type3A_224 = arith.fptosi %sub3A_223 : vector<128x1xf32> to vector<128x1xi32>
      %jit3A_225 = arith.constant 0 : i32
      %jit3A_226 = arith.constant 128 : i32
      %max3A = vector.broadcast %jit3A_225 : i32 to vector<128x1xi32>
      %max3A_227 = arith.maxsi %max3A, %convert_element_type3A_224 : vector<128x1xi32>
      %min3A_228 = vector.broadcast %jit3A_226 : i32 to vector<128x1xi32>
      %min3A_229 = arith.minsi %min3A_228, %max3A_227 : vector<128x1xi32>
      %min3A_230 = arith.constant 4480 : i32
      %min3A_231 = vector.broadcast %min3A_230 : i32 to vector<128x1xi32>
      %min3A_232 = arith.minsi %convert_element_type3A_219, %min3A_231 : vector<128x1xi32>
      %sub3A_233 = arith.subi %convert_element_type3A_219, %min3A_232 : vector<128x1xi32>
      %add3A_234 = arith.addi %sub3A_233, %min3A_229 : vector<128x1xi32>
      %ge3A_235 = vector.broadcast %broadcast_in_dim3A_152 : vector<1x1xf32> to vector<128x1xf32>
      %ge3A_236 = arith.cmpf oge, %convert_element_type3A_175, %ge3A_235 : vector<128x1xf32>
      %iota3A_237 = tpu.iota {dimensions = array<i32: 1>} : vector<1x64xi32>
      %gt3A_238 = arith.constant 0 : i32
      %gt3A_239 = vector.broadcast %gt3A_238 : i32 to vector<1x64xi32>
      %gt3A_240 = arith.cmpi sgt, %get3A_64, %gt3A_239 : vector<1x64xi32>
      %jit3A_241 = arith.constant 0 : i32
      %broadcast_in_dim3A_242 = vector.broadcast %jit3A_241 : i32 to vector<1x64xi32>
      %select_n3A_243 = arith.select %gt3A_240, %iota3A_237, %broadcast_in_dim3A_242 : vector<1x64xi1>, vector<1x64xi32>
      %reduce_max3A_244 = vector.shape_cast %select_n3A_243 : vector<1x64xi32> to vector<1x1x64xi32>
      %reduce_max3A_245 = arith.constant dense<-2147483648> : vector<1xi32>
      %reduce_max3A_246 = vector.multi_reduction <maxsi>, %reduce_max3A_244, %reduce_max3A_245 [1, 2] : vector<1x1x64xi32> to vector<1xi32>
      %reduce_max3A_247 = vector.shape_cast %reduce_max3A_246 : vector<1xi32> to vector<1x1x1xi32>
      %reduce_max3A_248 = vector.extract %reduce_max3A_247[0, 0, 0] : i32 from vector<1x1x1xi32>
      %broadcast_in_dim3A_249 = vector.broadcast %reduce_max3A_248 : i32 to vector<128x1xi32>
      %select_n3A_250 = arith.select %ge3A_236, %broadcast_in_dim3A_249, %min3A_186 : vector<128x1xi1>, vector<128x1xi32>
      %swap3A_251 = arith.constant 0 : index
      %swap3A_252 = arith.constant 0 : index
      %swap3A_253 = vector.load %arg4[%swap3A_251, %swap3A_252] : memref<512x1xi32, #tpu.memory_space<vmem>>, vector<128x1xi32>
      tpu.vector_store %arg4[%swap3A_251, %swap3A_252], %select_n3A_250 {strides = array<i32>} : memref<512x1xi32, #tpu.memory_space<vmem>>, vector<128x1xi32>,
      %jit3A_254 = arith.constant 0 : i32
      %broadcast_in_dim3A_255 = vector.broadcast %jit3A_254 : i32 to vector<128x1xi32>
      %select_n3A_256 = arith.select %ge3A_236, %broadcast_in_dim3A_255, %min3A_232 : vector<128x1xi1>, vector<128x1xi32>
      %swap3A_257 = arith.constant 128 : index
      %swap3A_258 = arith.constant 0 : index
      %swap3A_259 = vector.load %arg4[%swap3A_257, %swap3A_258] : memref<512x1xi32, #tpu.memory_space<vmem>>, vector<128x1xi32>
      tpu.vector_store %arg4[%swap3A_257, %swap3A_258], %select_n3A_256 {strides = array<i32>} : memref<512x1xi32, #tpu.memory_space<vmem>>, vector<128x1xi32>,
      %jit3A_260 = arith.constant 0 : i32
      %broadcast_in_dim3A_261 = vector.broadcast %jit3A_260 : i32 to vector<128x1xi32>
      %select_n3A_262 = arith.select %ge3A_236, %broadcast_in_dim3A_261, %sub3A_233 : vector<128x1xi1>, vector<128x1xi32>
      %swap3A_263 = arith.constant 256 : index
      %swap3A_264 = arith.constant 0 : index
      %swap3A_265 = vector.load %arg4[%swap3A_263, %swap3A_264] : memref<512x1xi32, #tpu.memory_space<vmem>>, vector<128x1xi32>
      tpu.vector_store %arg4[%swap3A_263, %swap3A_264], %select_n3A_262 {strides = array<i32>} : memref<512x1xi32, #tpu.memory_space<vmem>>, vector<128x1xi32>,
      %jit3A_266 = arith.constant 0 : i32
      %broadcast_in_dim3A_267 = vector.broadcast %jit3A_266 : i32 to vector<128x1xi32>
      %select_n3A_268 = arith.select %ge3A_236, %broadcast_in_dim3A_267, %add3A_234 : vector<128x1xi1>, vector<128x1xi32>
      %swap3A_269 = arith.constant 384 : index
      %swap3A_270 = arith.constant 0 : index
      %swap3A_271 = vector.load %arg4[%swap3A_269, %swap3A_270] : memref<512x1xi32, #tpu.memory_space<vmem>>, vector<128x1xi32>
      tpu.vector_store %arg4[%swap3A_269, %swap3A_270], %select_n3A_268 {strides = array<i32>} : memref<512x1xi32, #tpu.memory_space<vmem>>, vector<128x1xi32>,
    } else {
    }
    return
  }
  func.func @transform_0(%arg0: i32) -> (i32, i32) {
    %c0_i32 = arith.constant 0 : i32
    %c0_i32_0 = arith.constant 0 : i32
    return %arg0, %c0_i32 : i32, i32
  }
  func.func @transform_1(%arg0: i32) -> (i32, i32) {
    %c0_i32 = arith.constant 0 : i32
    %c0_i32_0 = arith.constant 0 : i32
    %c0_i32_1 = arith.constant 0 : i32
    return %c0_i32, %c0_i32_0 : i32, i32
  }
  func.func @transform_2(%arg0: i32) -> (i32, i32) {
    %c0_i32 = arith.constant 0 : i32
    %c0_i32_0 = arith.constant 0 : i32
    %c0_i32_1 = arith.constant 0 : i32
    return %c0_i32, %c0_i32_0 : i32, i32
  }
  func.func @transform_3(%arg0: i32) -> (i32, i32) {
    %c0_i32 = arith.constant 0 : i32
    %c0_i32_0 = arith.constant 0 : i32
    %c0_i32_1 = arith.constant 0 : i32
    return %c0_i32, %c0_i32_0 : i32, i32
  }
}

module attributes {stable_mosaic.version = 14 : i64} {
  func.func @_gemm_body(%arg0: i32, %arg1: memref<128xi32, #tpu.memory_space<smem>>, %arg2: memref<128xi32, #tpu.memory_space<smem>>, %arg3: memref<128xi32, #tpu.memory_space<smem>>, %arg4: memref<128xi32, #tpu.memory_space<smem>>, %arg5: memref<4608x768xf32, #tpu.memory_space<vmem>>, %arg6: memref<1x768x768xf32, #tpu.memory_space<vmem>>, %arg7: memref<1x768x768xf32, #tpu.memory_space<vmem>>, %arg8: memref<1x768x768xf32, #tpu.memory_space<vmem>>, %arg9: memref<4608x768xf32, #tpu.memory_space<vmem>>) attributes {dimension_semantics = [#tpu.dimension_semantics<arbitrary>], iteration_bounds = array<i64: 95>, scalar_prefetch = 4 : i64, scratch_operands = 0 : i64, tpu.core_type = #tpu.core_type<tc>, window_params = [{pipeline_mode = #tpu.pipeline_mode<synchronous>, transform_indices = @transform_0, window_bounds = array<i64: 4608, 768>}, {transform_indices = @transform_1, window_bounds = array<i64: 1, 768, 768>}, {transform_indices = @transform_2, window_bounds = array<i64: 1, 768, 768>}, {transform_indices = @transform_3, window_bounds = array<i64: 1, 768, 768>}, {pipeline_mode = #tpu.pipeline_mode<synchronous>, transform_indices = @transform_4, window_bounds = array<i64: 4608, 768>}]} {
    %get3A = arith.index_cast %arg0 : i32 to index
    %get3A_0 = memref.load %arg2[%get3A] : memref<128xi32, #tpu.memory_space<smem>>
    %multiple_of3A = tpu.assume_multiple %get3A_0, 8 : i32
    %get3A_1 = arith.index_cast %arg0 : i32 to index
    %get3A_2 = memref.load %arg3[%get3A_1] : memref<128xi32, #tpu.memory_space<smem>>
    %get3A_3 = arith.index_cast %arg0 : i32 to index
    %get3A_4 = memref.load %arg4[%get3A_3] : memref<128xi32, #tpu.memory_space<smem>>
    %gt3A = arith.cmpi sgt, %get3A_4, %get3A_2 : i32
    %convert_element_type3A = arith.extui %gt3A : i1 to i32
    %cond3A = arith.constant 0 : i32
    %cond3A_5 = arith.cmpi ne, %convert_element_type3A, %cond3A : i32
    scf.if %cond3A_5 {
      %get3A_6 = arith.index_cast %multiple_of3A : i32 to index
      %get3A_7 = arith.constant 0 : index
      %get3A_8 = vector.load %arg5[%get3A_6, %get3A_7] : memref<4608x768xf32, #tpu.memory_space<vmem>>, vector<128x768xf32>
      %get3A_9 = arith.constant 0 : index
      %get3A_10 = arith.constant 0 : index
      %get3A_11 = arith.constant 0 : index
      %get3A_12 = vector.load %arg6[%get3A_9, %get3A_10, %get3A_11] : memref<1x768x768xf32, #tpu.memory_space<vmem>>, vector<1x768x768xf32>
      %get3A_13 = vector.shape_cast %get3A_12 : vector<1x768x768xf32> to vector<768x768xf32>
      %get3A_14 = arith.constant 0 : index
      %get3A_15 = arith.constant 0 : index
      %get3A_16 = arith.constant 0 : index
      %get3A_17 = vector.load %arg7[%get3A_14, %get3A_15, %get3A_16] : memref<1x768x768xf32, #tpu.memory_space<vmem>>, vector<1x768x768xf32>
      %get3A_18 = vector.shape_cast %get3A_17 : vector<1x768x768xf32> to vector<768x768xf32>
      %get3A_19 = arith.constant 0 : index
      %get3A_20 = arith.constant 0 : index
      %get3A_21 = arith.constant 0 : index
      %get3A_22 = vector.load %arg8[%get3A_19, %get3A_20, %get3A_21] : memref<1x768x768xf32, #tpu.memory_space<vmem>>, vector<1x768x768xf32>
      %get3A_23 = vector.shape_cast %get3A_22 : vector<1x768x768xf32> to vector<768x768xf32>
      %dot_general3A = arith.constant dense<0.000000e+00> : vector<128x768xf32>
      %dot_general3A_24 = tpu.matmul %get3A_8, %get3A_13, %dot_general3A {dimension_numbers = #tpu.dot_dimension_numbers<[1], [1], [0], [0], [0, 0, 1, 0], [], []>, transpose_lhs_hint = false} : vector<128x768xf32>, vector<768x768xf32>, vector<128x768xf32> -> vector<128x768xf32>
      %dot_general3A_25 = arith.constant dense<0.000000e+00> : vector<128x768xf32>
      %dot_general3A_26 = tpu.matmul %get3A_8, %get3A_18, %dot_general3A_25 {dimension_numbers = #tpu.dot_dimension_numbers<[1], [1], [0], [0], [0, 0, 1, 0], [], []>, transpose_lhs_hint = false} : vector<128x768xf32>, vector<768x768xf32>, vector<128x768xf32> -> vector<128x768xf32>
      %logistic3A = arith.negf %dot_general3A_24 : vector<128x768xf32>
      %logistic3A_27 = math.exp %logistic3A : vector<128x768xf32>
      %logistic3A_28 = arith.constant 1.000000e+00 : f32
      %logistic3A_29 = vector.broadcast %logistic3A_28 : f32 to vector<128x768xf32>
      %logistic3A_30 = arith.addf %logistic3A_29, %logistic3A_27 : vector<128x768xf32>
      %logistic3A_31 = arith.divf %logistic3A_29, %logistic3A_30 : vector<128x768xf32>
      %mul3A = arith.mulf %dot_general3A_24, %logistic3A_31 : vector<128x768xf32>
      %mul3A_32 = arith.mulf %mul3A, %dot_general3A_26 : vector<128x768xf32>
      %dot_general3A_33 = arith.constant dense<0.000000e+00> : vector<128x768xf32>
      %dot_general3A_34 = tpu.matmul %mul3A_32, %get3A_23, %dot_general3A_33 {dimension_numbers = #tpu.dot_dimension_numbers<[1], [1], [0], [0], [0, 0, 1, 0], [], []>, transpose_lhs_hint = false} : vector<128x768xf32>, vector<768x768xf32>, vector<128x768xf32> -> vector<128x768xf32>
      %iota3A = tpu.iota {dimensions = array<i32: 0>} : vector<128x1xi32>
      %ge3A = vector.broadcast %get3A_2 : i32 to vector<128x1xi32>
      %ge3A_35 = arith.cmpi sge, %iota3A, %ge3A : vector<128x1xi32>
      %lt3A = vector.broadcast %get3A_4 : i32 to vector<128x1xi32>
      %lt3A_36 = arith.cmpi slt, %iota3A, %lt3A : vector<128x1xi32>
      %and3A = arith.andi %ge3A_35, %lt3A_36 : vector<128x1xi1>
      %get3A_37 = arith.index_cast %multiple_of3A : i32 to index
      %get3A_38 = arith.constant 0 : index
      %get3A_39 = vector.load %arg9[%get3A_37, %get3A_38] : memref<4608x768xf32, #tpu.memory_space<vmem>>, vector<128x768xf32>
      %broadcast_in_dim3A = vector.shape_cast %and3A : vector<128x1xi1> to vector<128x1xi1>
      %broadcast_in_dim3A_40 = vector.broadcast %broadcast_in_dim3A : vector<128x1xi1> to vector<128x768xi1>
      %select_n3A = arith.select %broadcast_in_dim3A_40, %dot_general3A_34, %get3A_39 : vector<128x768xi1>, vector<128x768xf32>
      %swap3A = arith.index_cast %multiple_of3A : i32 to index
      %swap3A_41 = arith.constant 0 : index
      %swap3A_42 = vector.load %arg9[%swap3A, %swap3A_41] : memref<4608x768xf32, #tpu.memory_space<vmem>>, vector<128x768xf32>
      tpu.vector_store %arg9[%swap3A, %swap3A_41], %select_n3A {strides = array<i32>} : memref<4608x768xf32, #tpu.memory_space<vmem>>, vector<128x768xf32>,
    } else {
    }
    return
  }
  func.func @transform_0(%arg0: i32, %arg1: memref<128xi32, #tpu.memory_space<smem>>, %arg2: memref<128xi32, #tpu.memory_space<smem>>, %arg3: memref<128xi32, #tpu.memory_space<smem>>, %arg4: memref<128xi32, #tpu.memory_space<smem>>) -> (i32, i32) {
    %c0_i32 = arith.constant 0 : i32
    %c0_i32_0 = arith.constant 0 : i32
    %c0_i32_1 = arith.constant 0 : i32
    return %c0_i32, %c0_i32_0 : i32, i32
  }
  func.func @transform_1(%arg0: i32, %arg1: memref<128xi32, #tpu.memory_space<smem>>, %arg2: memref<128xi32, #tpu.memory_space<smem>>, %arg3: memref<128xi32, #tpu.memory_space<smem>>, %arg4: memref<128xi32, #tpu.memory_space<smem>>) -> (i32, i32, i32) {
    %get3A = arith.index_cast %arg0 : i32 to index
    %get3A_0 = memref.load %arg1[%get3A] : memref<128xi32, #tpu.memory_space<smem>>
    %c0_i32 = arith.constant 0 : i32
    %c0_i32_1 = arith.constant 0 : i32
    %c0_i32_2 = arith.constant 0 : i32
    return %get3A_0, %c0_i32, %c0_i32_1 : i32, i32, i32
  }
  func.func @transform_2(%arg0: i32, %arg1: memref<128xi32, #tpu.memory_space<smem>>, %arg2: memref<128xi32, #tpu.memory_space<smem>>, %arg3: memref<128xi32, #tpu.memory_space<smem>>, %arg4: memref<128xi32, #tpu.memory_space<smem>>) -> (i32, i32, i32) {
    %get3A = arith.index_cast %arg0 : i32 to index
    %get3A_0 = memref.load %arg1[%get3A] : memref<128xi32, #tpu.memory_space<smem>>
    %c0_i32 = arith.constant 0 : i32
    %c0_i32_1 = arith.constant 0 : i32
    %c0_i32_2 = arith.constant 0 : i32
    return %get3A_0, %c0_i32, %c0_i32_1 : i32, i32, i32
  }
  func.func @transform_3(%arg0: i32, %arg1: memref<128xi32, #tpu.memory_space<smem>>, %arg2: memref<128xi32, #tpu.memory_space<smem>>, %arg3: memref<128xi32, #tpu.memory_space<smem>>, %arg4: memref<128xi32, #tpu.memory_space<smem>>) -> (i32, i32, i32) {
    %get3A = arith.index_cast %arg0 : i32 to index
    %get3A_0 = memref.load %arg1[%get3A] : memref<128xi32, #tpu.memory_space<smem>>
    %c0_i32 = arith.constant 0 : i32
    %c0_i32_1 = arith.constant 0 : i32
    %c0_i32_2 = arith.constant 0 : i32
    return %get3A_0, %c0_i32, %c0_i32_1 : i32, i32, i32
  }
  func.func @transform_4(%arg0: i32, %arg1: memref<128xi32, #tpu.memory_space<smem>>, %arg2: memref<128xi32, #tpu.memory_space<smem>>, %arg3: memref<128xi32, #tpu.memory_space<smem>>, %arg4: memref<128xi32, #tpu.memory_space<smem>>) -> (i32, i32) {
    %c0_i32 = arith.constant 0 : i32
    %c0_i32_0 = arith.constant 0 : i32
    %c0_i32_1 = arith.constant 0 : i32
    return %c0_i32, %c0_i32_0 : i32, i32
  }
}

</mosaic_0001>

<sc_bundles>
// kernel: kernel.6.cloned.1.call-start
scs
__scs_entry_jumppad:
0x0: {  	(pc) =	sbr.rel $0x88, $3  }
0x1: {  	(tag) =	ssettag $0x0;
	lr =	simm.s32 $0x1  }
0x2: {  	[smem:$0x3F9C] =	sst lr;
	_ =	strace $0xD0000000  }
0x3: {  	_ = 	snop  }
0x4: {  	_ = 	snop  }
0x5: {  	_ = 	snop  }
0x6: {  	_ = 	snop  }
0x7: {  	_ = 	snop  }
__scs_overlays_trampoline_lowered:
0x8: {  	[smem:$0x3FAB] =	sst s0  }
0x9: {  	[smem:$0x3FAC] =	sst s1  }
0xa: {  	[smem:$0x3FAD] =	sst s2  }
0xb: {  	[smem:$0x3FAE] =	sst s3  }
0xc: {  	[smem:$0x3FAF] =	sst s4  }
0xd: {  	[smem:$0x3FB0] =	sst s5  }
0xe: {  	[smem:$0x3FB1] =	sst s6  }
0xf: {  	[smem:$0x3FB2] =	sst s7  }
0x10: {  	[smem:$0x3FB3] =	sst s8  }
0x11: {  	[smem:$0x3FB4] =	sst s9;
	s0 =	simm.s32 @!p0 $0x0  }
0x12: {  	s1 =	sld [smem:$0x3F9A];
	s0 =	simm.s32 @p0 $0x1  }
0x13: {  	[smem:$0x3FB5] =	sst s0;
	s0 =	simm.s32 @!p1 $0x0  }
0x14: {  	s2 =	sld [smem:$0x3F99];
	s0 =	simm.s32 @p1 $0x1  }
0x15: {  	[smem:$0x3FB6] =	sst s0;
	s0 =	simm.s32 @!p2 $0x0  }
0x16: {  	s3 =	sld [smem:$0x3FDB];
	s0 =	simm.s32 @p2 $0x1  }
0x17: {  	s4 =	simm.s32 $0x1BF5;
	[smem:$0x3FB8] =	sst s0  }
0x18: {  	s0 =	sld [smem:$0x3F9B];
	_ =	swait.ge [sflag:s4], $0x0  }
0x19: {  	s7 =	sld [smem:$0x3F9C]  }
0x1a: {  	s8 =	sadd.s32 $0xFFFFE003, lr  }
0x1b: {  	s9 =	sadd.s32 $0xFFFFFEF7, lr;
	s5 =	simm.s32 $0xFFFFFFFF;
	p2 =	slt.u32 s8, $0xFFFFF086  }
0x1c: {  	p1 =	slt.u32 s9, $0xF7A;
	s5 =	simm.s32 @!p2 $0x0  }
0x1d: {  	s5 =	simm.s32 @p1 $0x1;
	p0 =	seq.s32 s7, s2  }
0x1e: {  	s7 =	smul.u32 @!p0 $0xF7A, s2;
	p2 =	seq.s32 @!p0 s5, $0x0  }
0x1f: {  	s9 =	smul.u32 $0xF7A, s1;
	s8 =	simm.s32 @!p0 $0x1BF5;
	p2 =	por !p2, p0  }
0x20: {  	[sflag:s8] =	ssyncset.s32 @!p0 $0xFFFFF086;
	s6 =	sadd.s32 @!p0 s3, s7;
	s7 =	simm.s32 @!p0 $0x108  }
0x21: {  	s3 =	sadd.s32 s3, s9;
	s6 =	sadd.s32 @!p0 $0x88, s6;
	s7 =	simm.s32 @p2 $0x1082  }
0x22: {  	[simem:s7], [sflag:s8] =	dma.local @!p0 [hbm:s6], $0xF7A  }
0x23: {  	s9 =	sor.u32 $0xD0000000, s2;
	s6 =	simm.s32 $0x108;
	_ =	swait.ge @!p0 [sflag:s8], $0x0  }
0x24: {  	s3 =	sadd.s32 $0x88, s3;
	s6 =	simm.s32 @!p1 $0x1082;
	[sflag:s4] =	ssyncset.s32 $0xFFFFF086  }
0x25: {  	[simem:s6], [sflag:s4] =	dma.local [hbm:s3], $0xF7A  }
0x26: {  	[smem:$0x3F9C] =	sst s1;
	(tag) =	ssettag s2;
	_ =	strace s9  }
0x27: {  	s1 =	sld [smem:$0x3FAC]  }
0x28: {  	s2 =	sld [smem:$0x3FAD]  }
0x29: {  	s4 =	sld [smem:$0x3FAF]  }
0x2a: {  	p0 =	seq.s32 s5, $0x0;
	s5 =	sld [smem:$0x3FB0]  }
0x2b: {  	s6 =	sld [smem:$0x3FB1]  }
0x2c: {  	s7 =	sld [smem:$0x3FB2]  }
0x2d: {  	s3 =	simm.s32 $0x108;
	s8 =	sld [smem:$0x3FB3]  }
0x2e: {  	s3 =	simm.s32 @!p0 $0x1082;
	s9 =	sld [smem:$0x3FB4]  }
0x2f: {  	lr =	sadd.s32 s0, s3;
	s0 =	sld [smem:$0x3FAB]  }
0x30: {  	s3 =	sld [smem:$0x3FAE]  }
0x31: {  	[smem:$0x3FB7] =	sst s10  }
0x32: {  	s10 =	sld [smem:$0x3FB5];
	_ =	sdelay $0x3  }
0x33: {  	p0 =	seq.s32 s10, $0x1;
	s10 =	sld [smem:$0x3FB7];
	_ =	sdelay $0x3  }
0x34: {  	[smem:$0x3FB7] =	sst s10  }
0x35: {  	s10 =	sld [smem:$0x3FB6];
	_ =	sdelay $0x3  }
0x36: {  	p1 =	seq.s32 s10, $0x1;
	s10 =	sld [smem:$0x3FB7];
	_ =	sdelay $0x3  }
0x37: {  	[smem:$0x3FB7] =	sst s10  }
0x38: {  	s10 =	sld [smem:$0x3FB8]  }
0x39: {  	_ = 	snop;
	(pc) =	sbr.ind lr, $3  }
0x3a: {  	_ = 	snop  }
0x3b: {  	_ = 	snop  }
0x3c: {  	p2 =	seq.s32 s10, $0x1;
	s10 =	sld [smem:$0x3FB7]  }
0x3d: {  	_ =	shalt  }
0x3e: {  	_ =	shalt  }
0x3f: {  	_ =	shalt  }
0x40: {  	_ =	shalt  }
0x41: {  	_ =	shalt  }
0x42: {  	_ =	shalt  }
0x43: {  	_ =	shalt  }
0x44: {  	_ =	shalt  }
0x45: {  	_ =	shalt  }
0x46: {  	_ =	shalt  }
0x47: {  	_ =	shalt  }
0x48: {  	_ =	shalt  }
0x49: {  	_ =	shalt  }
0x4a: {  	_ =	shalt  }
0x4b: {  	_ =	shalt  }
0x4c: {  	_ =	shalt  }
0x4d: {  	_ =	shalt  }
0x4e: {  	_ =	shalt  }
0x4f: {  	_ =	shalt  }
0x50: {  	_ =	shalt  }
0x51: {  	_ =	shalt  }
0x52: {  	_ =	shalt  }
0x53: {  	_ =	shalt  }
0x54: {  	_ =	shalt  }
0x55: {  	_ =	shalt  }
0x56: {  	_ =	shalt  }
0x57: {  	_ =	shalt  }
0x58: {  	_ =	shalt  }
0x59: {  	_ =	shalt  }
0x5a: {  	_ =	shalt  }
0x5b: {  	_ =	shalt  }
0x5c: {  	_ =	shalt  }
0x5d: {  	_ =	shalt  }
0x5e: {  	_ =	shalt  }
0x5f: {  	_ =	shalt  }
0x60: {  	_ =	shalt  }
0x61: {  	_ =	shalt  }
0x62: {  	_ =	shalt  }
0x63: {  	_ =	shalt  }
0x64: {  	_ =	shalt  }
0x65: {  	_ =	shalt  }
0x66: {  	_ =	shalt  }
0x67: {  	_ =	shalt  }
0x68: {  	_ =	shalt  }
0x69: {  	_ =	shalt  }
0x6a: {  	_ =	shalt  }
0x6b: {  	_ =	shalt  }
0x6c: {  	_ =	shalt  }
0x6d: {  	_ =	shalt  }
0x6e: {  	_ =	shalt  }
0x6f: {  	_ =	shalt  }
0x70: {  	_ =	shalt  }
0x71: {  	_ =	shalt  }
0x72: {  	_ =	shalt  }
0x73: {  	_ =	shalt  }
0x74: {  	_ =	shalt  }
0x75: {  	_ =	shalt  }
0x76: {  	_ =	shalt  }
0x77: {  	_ =	shalt  }
0x78: {  	_ =	shalt  }
0x79: {  	_ =	shalt  }
0x7a: {  	_ =	shalt  }
0x7b: {  	_ =	shalt  }
0x7c: {  	_ =	shalt  }
0x7d: {  	_ =	shalt  }
0x7e: {  	_ =	shalt  }
0x7f: {  	_ =	shalt  }
0x80: {  	_ =	shalt  }
0x81: {  	_ =	shalt  }
0x82: {  	_ =	shalt  }
0x83: {  	_ =	shalt  }
0x84: {  	_ =	shalt  }
0x85: {  	_ =	shalt  }
0x86: {  	_ =	shalt  }
0x87: {  	_ =	shalt  }
.Lfunc_end0:
.L_simem_size_0:
called_computation_lowered:
.L_overlay_start_0:
0x88: {  	s2 =	sld [smem:$0x3FD9]  }
0x89: {  	s3 =	sld [smem:$0x3FFE];
	_ =	sdelay $0x1  }
0x8a: {  	s1 =	srdreg.scid  }
0x8b: {  	s0 =	sand.u32 $0x1, s1  }
0x8c: {  	s17 =	sshll.u32 s0, $0xA;
	s2 =	sadd.s32 s3, s2  }
0x8d: {  	s2 =	sadd.s32 s2, s17  }
0x8e: {  	[smem:$0x3FC3] =	sst s2  }
0x8f: {  	_ = 	snop  }
0x90: {  	s2 =	sld [smem:$0x3FC9];
	(tm) =	ssettm $0x1  }
0x91: {  	s18 =	sld [smem:$0x3FFB];
	_ =	sdelay $0x3  }
0x92: {  	_ =	strace s18  }
0x93: {  	s3 =	sld [smem:$0x3FFC];
	_ =	sdelay $0x3  }
0x94: {  	_ =	strace s3  }
0x95: {  	s3 =	sld [smem:$0x3FFD];
	_ =	sdelay $0x3  }
0x96: {  	_ =	strace s3  }
0x97: {  	_ =	strace $0x8FFFFFFF  }
0x98: {  	s19 =	sld [smem:$0x3FDB];
	_ =	sdelay $0x1  }
0x99: {  	s4 =	simm.s32 $_scs_section_size  }
0x9a: {  	s5 =	simm.s32 $_size__tile_overlayer_lowered;
	s6 =	simm.s32 $_tile_overlayer_lowered  }
0x9b: {  	s22 =	simm.s32 $0x1BFF;
	s21 =	sshll.u32 s6, $0x1;
	s3 =	sadd.s32 s4, s19  }
0x9c: {  	s7 =	simm.s32 $0x0;
	s20 =	sshll.u32 s5, $0x1;
	s5 =	sadd.s32 s21, s3  }
0x9d: {  	[timem:s7], [sflag:s22] =	dma.local [hbm:s5], s20  }
0x9e: {  	_ =	swait.ge [sflag:s22], s20  }
0x9f: {  	s4 =	ssub.s32 $0x0, s20;
	[sflag:s22] =	ssyncset.done $0x0  }
0xa0: {  	[sflag:s22] =	ssyncadd.s32 s4;
	_ =	sdelay $0x1  }
0xa1: {  	s23 =	simm.s32 $0x1B8B  }
0xa2: {  	_ =	swait.ge [sflag:s23], $0x1  }
0xa3: {  	[sflag:s23] =	ssyncset.done $0x0  }
0xa4: {  	s25 =	simm.s32 $0x1B8E;
	s24 =	sld [smem:$0x3FFE];
	[sflag:s23] =	ssyncadd.s32 $0xFFFFFFFF  }
0xa5: {  	s26 =	simm.s32 $execute0_lowered;
	[smem:$0x3FD2] =	sst s25  }
0xa6: {  	s5 =	sshll.u32 s26, $0x1;
	_ =	strace $0x80000046;
	[dreg:$0x1] =	wrdreg $0xFFFFFFFF  }
0xa7: {  	s28 =	simm.s32 $_size_execute0_lowered;
	s3 =	sadd.s32 s3, s5;
	[dreg:$0x0] =	wrdreg $0x0  }
0xa8: {  	s5 =	sshll.u32 s28, $0x1;
	[dreg:$0x2] =	wrdreg s3  }
0xa9: {  	[dreg:$0x3] =	wrdreg s5  }
0xaa: {  	[dreg:$0x4] =	wrdreg $0xC0  }
0xab: {  	_ =	task [dreg:s7], $0x5FFFF  }
0xac: {  	[dreg:$0x1] =	wrdreg $0xFFFFFFFF  }
0xad: {  	[dreg:$0x0] =	wrdreg $0x60  }
0xae: {  	[dreg:$0x2] =	wrdreg s2  }
0xaf: {  	[dreg:$0x3] =	wrdreg s24  }
0xb0: {  	[dreg:$0x4] =	wrdreg $0x9  }
0xb1: {  	_ =	task.clear_ibuf [dreg:s7], $0x5FFFF;
	_ =	strace $0x90000046  }
0xb2: {  	s29 =	simm.s32 $0x9;
	_ =	strace $0x80000048  }
0xb3: {  	_ =	swait.ge [sflag:s29], $0x1  }
0xb4: {  	[sflag:s29] =	ssyncadd.s32 $0xFFFFFFFF  }
0xb5: {  	_ =	strace $0x90000048  }
0xb6: {  	_ =	sfence  }
0xb7: {  	s30 =	sld [smem:$0x0];
	_ =	sdelay $0x2  }
0xb8: {  	s31 =	sshll.u32 s1, $0xD;
	s1 =	sshrl.u32 s1, $0x2  }
0xb9: {  	s3 =	sand.u32 $0x4000, s31;
	s1 =	sadd.s32 s1, s30  }
0xba: {  	s0 =	sor.u32 s3, s0;
	s1 =	sshll.u32 s1, $0x11  }
0xbb: {  	s0 =	sor.u32 s1, s0  }
0xbc: {  	s0 =	sadd.s32 $0x8F2B, s0  }
0xbd: {  	[sflag:s0] =	ssyncadd.remote.s32 $0x1  }
0xbe: {  	_ =	sfence.sel $0xFFFF  }
0xbf: {  	[dreg:$0x0] =	wrdreg $0xFFFFFFFF;
	(pc) =	sbr.abs _section_cstart, $3  }
0xc0: {  	[dreg:$0x1] =	wrdreg $0xFFFFFFFF  }
0xc1: {  	_ =	task.clear_ibuf [dreg:s7], $0x2FFFF;
	_ =	strace $0x9FFFFFFF  }
0xc2: {  	(tm) =	ssettm $0x7FFFFFFF  }
0xc3: {  	_ =	shalt  }
tec
execute0_lowered:
.L_overlay_start_1:
0x0: {  	(tag) =	ssettag $0x1  }
0x1: {  	s1 =	srdreg.scid  }
0x2: {  	s0 =	stileid.u32;
	s1 =	sand.u32 $0x1, s1  }
0x3: {  	s3 =	rddreg [dreg:$0x0];
	s2 =	sshll.u32 s0, $0x5;
	s4 =	sshll.u32 s1, $0x4  }
0x4: {  	s5 =	rddreg [dreg:$0x1];
	s4 =	sor.u32 s4, s2;
	s2 =	simm.s32 $0x0  }
0x5: {  	s25 =	simm.s32 $0x18000;
	[smem:$0x7FF] =	sst s2  }
0x6: {  	s26 =	simm.s32 $0x800;
	_ =	strace $0x80000047;
	[dreg:$0x5] =	wrdreg s25  }
0x7: {  	s0 =	simm.s32 $0x1000;
	[dreg:$0x6] =	wrdreg s26  }
0x8: {  	s7 =	simm.s32 $0x2800;
	[dreg:$0x7] =	wrdreg s0  }
0x9: {  	s8 =	simm.s32 $0x3000;
	[dreg:$0xa] =	wrdreg s7  }
0xa: {  	s9 =	simm.s32 $0x3800;
	[dreg:$0xb] =	wrdreg s8  }
0xb: {  	s10 =	simm.s32 $0x4000;
	[dreg:$0xc] =	wrdreg s9  }
0xc: {  	s11 =	simm.s32 $0x4800;
	[dreg:$0xd] =	wrdreg s10  }
0xd: {  	s12 =	simm.s32 $0x5000;
	[dreg:$0xe] =	wrdreg s11  }
0xe: {  	s13 =	simm.s32 $0x5800;
	s14 =	simm.s32 $0x6000;
	[dreg:$0xf] =	wrdreg s12  }
0xf: {  	s15 =	simm.s32 $0x6800;
	s16 =	simm.s32 $0x7000;
	[dreg:$0x10] =	wrdreg s13  }
0x10: {  	s17 =	simm.s32 $0x7800;
	s18 =	simm.s32 $0x8000;
	[dreg:$0x11] =	wrdreg s14  }
0x11: {  	s19 =	simm.s32 $0x8800;
	s21 =	simm.s32 $0x9000;
	[dreg:$0x12] =	wrdreg s15  }
0x12: {  	s22 =	simm.s32 $0x9800;
	s23 =	simm.s32 $0xA000;
	[dreg:$0x13] =	wrdreg s16  }
0x13: {  	s28 =	simm.s32 $0x15800;
	s29 =	simm.s32 $0x16000;
	[dreg:$0x14] =	wrdreg s17  }
0x14: {  	s30 =	simm.s32 $0x16800;
	s1 =	ssub.s32 $0x2, s1;
	[dreg:$0x15] =	wrdreg s18  }
0x15: {  	s31 =	simm.s32 $0x17000;
	s20 =	sshrl.u32 s1, $0x1;
	[dreg:$0x16] =	wrdreg s19  }
0x16: {  	s6 =	smul.u32 $0x300, s4;
	s4 =	sadd.s32 s4, s5;
	[dreg:$0x17] =	wrdreg s21  }
0x17: {  	s1 =	ssub.s32 s1, s20;
	s20 =	simm.s32 $0x12000;
	[dreg:$0x18] =	wrdreg s22  }
0x18: {  	s24 =	sadd.s32 $0x200, s4;
	s4 =	simm.s32 $0x1800;
	[dreg:$0x19] =	wrdreg s23  }
0x19: {  	s7 =	simm.s32 $0xA800;
	s25 =	simm.s32 $0xB800;
	s8 =	simm.s32 $0x1  }
0x1a: {  	s26 =	simm.s32 $0xC000;
	s11 =	simm.s32 $0xD800;
	s12 =	simm.s32 $0xE000  }
0x1b: {  	s13 =	simm.s32 $0xE800;
	s14 =	simm.s32 $0xF000;
	s15 =	simm.s32 $0xF800  }
0x1c: {  	s16 =	simm.s32 $0x10000;
	s17 =	simm.s32 $0x10800;
	[dreg:$0x4] =	wrdreg s24  }
0x1d: {  	s18 =	simm.s32 $0x11000;
	s19 =	simm.s32 $0x11800;
	[dreg:$0x8] =	wrdreg s4  }
0x1e: {  	s21 =	simm.s32 $0x12800;
	s22 =	simm.s32 $0x13000;
	[dreg:$0x1a] =	wrdreg s7  }
0x1f: {  	s23 =	simm.s32 $0x13800;
	s3 =	sadd.s32 s3, s6;
	[dreg:$0x1c] =	wrdreg s25  }
0x20: {  	s6 =	simm.s32 $0x2000;
	s4 =	sadd.s32 $0x500, s5;
	[dreg:$0x1d] =	wrdreg s26  }
0x21: {  	s24 =	simm.s32 $0xB000;
	s7 =	simm.s32 $0x2;
	[dreg:$0x3] =	wrdreg s3  }
0x22: {  	v2 =	vlaneseq.u32;
	s25 =	simm.s32 $0x14800;
	s26 =	simm.s32 $0x15000;
	[dreg:$0x9] =	wrdreg s6  }
0x23: {  	vm0 =	vmmov $0xffff;
	v1 =	vshrl.u32 v2, $0x3;
	s3 =	sadd.s32 $0x400, s5;
	s5 =	sadd.s32 $0x600, s5;
	s6 =	smax.u32 s1, $0x1  }
0x24: {  	v0 =	vand.u32 $0x7, v2;
	v2 =	vor.u32 $0x8, v2;
	v1 =	vmul.u32 $0x8, v1;
	[dreg:$0x1b] =	wrdreg s24;
	s24 =	simm.s32 $0x14000;
	s1 =	simm.s32 $0x17800  }
.LBB2_1:
0x25: {  	s0 =	rddreg [dreg:$0x3]  }
0x26: {  	s9 =	rddreg [dreg:$0x4]  }
0x27: {  	[tilespmem:s2], [sflag:$0x1] =	stream.linear.gather [hbm4b:s0+s2], $0x18000, $0x38;
	[tilespmem:$0x18080] =	vst v63  }
0x28: {  	s10 =	rddreg [dreg:$0x5]  }
0x29: {  	[tilespmem:s10], [sflag:$0x2] =	stream.linear.gather [hbm4b:s9+s2], $0x80, $0x38;
	[tilespmem:$0x18080] =	vst v63  }
0x2a: {  	_ =	swait.ge [sflag:s7], $0x80  }
0x2b: {  	[sflag:s7] =	ssyncset.done $0x0  }
0x2c: {  	[sflag:s7] =	ssyncadd.s32 $0xFFFFFF80  }
0x2d: {  	_ =	swait.ge [sflag:s8], $0x18000  }
0x2e: {  	[sflag:s8] =	ssyncset.done $0x0  }
0x2f: {  	[sflag:s8] =	ssyncadd.s32 $0xFFFE8000  }
0x30: {  	v3 =	vld [tilespmem:$0x18000];
	_ =	sdelay $0x4  }
0x31: {  	v4 =	vshrl.u32 v3, $0x3  }
0x32: {  	v4 =	vmul.u32 $0x30, v4  }
0x33: {  	v3 =	vand.u32 $0x7, v3  }
0x34: {  	v3 =	vor.u32 v3, v4  }
0x35: {  	v4 =	vperm.xlane v3, v0;
	_ =	sdelay $0x1  }
0x36: {  	v4 =	vadd.s32 v1, v4;
	_ =	sdelay $0x3  }
0x37: {  	v3 =	vperm.xlane v3, v2  }
0x38: {  	[hbm4b:s3+s2] =	stream.indirect_vreg.scatter [tilespmem:s2], [sflag:$0x1], $0x80, v4, vm0, $0xb8;
	[tilespmem:$0x18080] =	vst v63  }
0x39: {  	s10 =	rddreg [dreg:$0x6];
	v3 =	vadd.s32 v1, v3  }
0x3a: {  	[hbm4b:s4+s2] =	stream.indirect_vreg.scatter [tilespmem:s10], [sflag:$0x1], $0x80, v4, vm0, $0xb8;
	[tilespmem:$0x18080] =	vst v63  }
0x3b: {  	s9 =	rddreg [dreg:$0x7]  }
0x3c: {  	[hbm4b:s5+s2] =	stream.indirect_vreg.scatter [tilespmem:s9], [sflag:$0x1], $0x80, v4, vm0, $0xb8;
	[tilespmem:$0x18080] =	vst v63  }
0x3d: {  	s10 =	rddreg [dreg:$0x8]  }
0x3e: {  	[hbm4b:s3+s2] =	stream.indirect_vreg.scatter [tilespmem:s10], [sflag:$0x1], $0x80, v3, vm0, $0xb8;
	[tilespmem:$0x18080] =	vst v63  }
0x3f: {  	s9 =	rddreg [dreg:$0x9]  }
0x40: {  	[hbm4b:s4+s2] =	stream.indirect_vreg.scatter [tilespmem:s9], [sflag:$0x1], $0x80, v3, vm0, $0xb8;
	[tilespmem:$0x18080] =	vst v63  }
0x41: {  	s10 =	rddreg [dreg:$0xa]  }
0x42: {  	[hbm4b:s5+s2] =	stream.indirect_vreg.scatter [tilespmem:s10], [sflag:$0x1], $0x80, v3, vm0, $0xb8;
	[tilespmem:$0x18080] =	vst v63  }
0x43: {  	v3 =	vld [tilespmem:$0x18010];
	_ =	sdelay $0x4  }
0x44: {  	v57 =	vshrl.u32 v3, $0x3  }
0x45: {  	v4 =	vmul.u32 $0x30, v57  }
0x46: {  	v3 =	vand.u32 $0x7, v3  }
0x47: {  	v3 =	vor.u32 v3, v4  }
0x48: {  	v4 =	vperm.xlane v3, v0;
	_ =	sdelay $0x1  }
0x49: {  	v4 =	vadd.s32 v1, v4;
	_ =	sdelay $0x3  }
0x4a: {  	s9 =	rddreg [dreg:$0xb];
	v3 =	vperm.xlane v3, v2  }
0x4b: {  	[hbm4b:s3+s2] =	stream.indirect_vreg.scatter [tilespmem:s9], [sflag:$0x1], $0x80, v4, vm0, $0xb8;
	[tilespmem:$0x18080] =	vst v63  }
0x4c: {  	s10 =	rddreg [dreg:$0xc];
	v3 =	vadd.s32 v1, v3  }
0x4d: {  	[hbm4b:s4+s2] =	stream.indirect_vreg.scatter [tilespmem:s10], [sflag:$0x1], $0x80, v4, vm0, $0xb8;
	[tilespmem:$0x18080] =	vst v63  }
0x4e: {  	s0 =	rddreg [dreg:$0xd]  }
0x4f: {  	[hbm4b:s5+s2] =	stream.indirect_vreg.scatter [tilespmem:s0], [sflag:$0x1], $0x80, v4, vm0, $0xb8;
	[tilespmem:$0x18080] =	vst v63  }
0x50: {  	s10 =	rddreg [dreg:$0xe]  }
0x51: {  	[hbm4b:s3+s2] =	stream.indirect_vreg.scatter [tilespmem:s10], [sflag:$0x1], $0x80, v3, vm0, $0xb8;
	[tilespmem:$0x18080] =	vst v63  }
0x52: {  	s0 =	rddreg [dreg:$0xf]  }
0x53: {  	[hbm4b:s4+s2] =	stream.indirect_vreg.scatter [tilespmem:s0], [sflag:$0x1], $0x80, v3, vm0, $0xb8;
	[tilespmem:$0x18080] =	vst v63  }
0x54: {  	s10 =	rddreg [dreg:$0x10]  }
0x55: {  	[hbm4b:s5+s2] =	stream.indirect_vreg.scatter [tilespmem:s10], [sflag:$0x1], $0x80, v3, vm0, $0xb8;
	[tilespmem:$0x18080] =	vst v63  }
0x56: {  	v3 =	vld [tilespmem:$0x18020];
	_ =	sdelay $0x4  }
0x57: {  	v58 =	vshrl.u32 v3, $0x3  }
0x58: {  	v4 =	vmul.u32 $0x30, v58  }
0x59: {  	v3 =	vand.u32 $0x7, v3  }
0x5a: {  	v3 =	vor.u32 v3, v4  }
0x5b: {  	v4 =	vperm.xlane v3, v0;
	_ =	sdelay $0x1  }
0x5c: {  	v4 =	vadd.s32 v1, v4;
	_ =	sdelay $0x3  }
0x5d: {  	s9 =	rddreg [dreg:$0x11];
	v3 =	vperm.xlane v3, v2  }
0x5e: {  	[hbm4b:s3+s2] =	stream.indirect_vreg.scatter [tilespmem:s9], [sflag:$0x1], $0x80, v4, vm0, $0xb8;
	[tilespmem:$0x18080] =	vst v63  }
0x5f: {  	s10 =	rddreg [dreg:$0x12];
	v3 =	vadd.s32 v1, v3  }
0x60: {  	[hbm4b:s4+s2] =	stream.indirect_vreg.scatter [tilespmem:s10], [sflag:$0x1], $0x80, v4, vm0, $0xb8;
	[tilespmem:$0x18080] =	vst v63  }
0x61: {  	s0 =	rddreg [dreg:$0x13]  }
0x62: {  	[hbm4b:s5+s2] =	stream.indirect_vreg.scatter [tilespmem:s0], [sflag:$0x1], $0x80, v4, vm0, $0xb8;
	[tilespmem:$0x18080] =	vst v63  }
0x63: {  	s10 =	rddreg [dreg:$0x14]  }
0x64: {  	[hbm4b:s3+s2] =	stream.indirect_vreg.scatter [tilespmem:s10], [sflag:$0x1], $0x80, v3, vm0, $0xb8;
	[tilespmem:$0x18080] =	vst v63  }
0x65: {  	s0 =	rddreg [dreg:$0x15]  }
0x66: {  	[hbm4b:s4+s2] =	stream.indirect_vreg.scatter [tilespmem:s0], [sflag:$0x1], $0x80, v3, vm0, $0xb8;
	[tilespmem:$0x18080] =	vst v63  }
0x67: {  	s10 =	rddreg [dreg:$0x16]  }
0x68: {  	[hbm4b:s5+s2] =	stream.indirect_vreg.scatter [tilespmem:s10], [sflag:$0x1], $0x80, v3, vm0, $0xb8;
	[tilespmem:$0x18080] =	vst v63  }
0x69: {  	v3 =	vld [tilespmem:$0x18030];
	_ =	sdelay $0x4  }
0x6a: {  	v59 =	vshrl.u32 v3, $0x3  }
0x6b: {  	v4 =	vmul.u32 $0x30, v59  }
0x6c: {  	v3 =	vand.u32 $0x7, v3  }
0x6d: {  	v3 =	vor.u32 v3, v4  }
0x6e: {  	v4 =	vperm.xlane v3, v0;
	_ =	sdelay $0x1  }
0x6f: {  	v4 =	vadd.s32 v1, v4;
	_ =	sdelay $0x3  }
0x70: {  	s9 =	rddreg [dreg:$0x17];
	v3 =	vperm.xlane v3, v2  }
0x71: {  	[hbm4b:s3+s2] =	stream.indirect_vreg.scatter [tilespmem:s9], [sflag:$0x1], $0x80, v4, vm0, $0xb8;
	[tilespmem:$0x18080] =	vst v63  }
0x72: {  	s10 =	rddreg [dreg:$0x18];
	v3 =	vadd.s32 v1, v3  }
0x73: {  	[hbm4b:s4+s2] =	stream.indirect_vreg.scatter [tilespmem:s10], [sflag:$0x1], $0x80, v4, vm0, $0xb8;
	[tilespmem:$0x18080] =	vst v63  }
0x74: {  	s0 =	rddreg [dreg:$0x19]  }
0x75: {  	[hbm4b:s5+s2] =	stream.indirect_vreg.scatter [tilespmem:s0], [sflag:$0x1], $0x80, v4, vm0, $0xb8;
	[tilespmem:$0x18080] =	vst v63  }
0x76: {  	s10 =	rddreg [dreg:$0x1a]  }
0x77: {  	[hbm4b:s3+s2] =	stream.indirect_vreg.scatter [tilespmem:s10], [sflag:$0x1], $0x80, v3, vm0, $0xb8;
	[tilespmem:$0x18080] =	vst v63  }
0x78: {  	s0 =	rddreg [dreg:$0x1b]  }
0x79: {  	[hbm4b:s4+s2] =	stream.indirect_vreg.scatter [tilespmem:s0], [sflag:$0x1], $0x80, v3, vm0, $0xb8;
	[tilespmem:$0x18080] =	vst v63  }
0x7a: {  	s10 =	rddreg [dreg:$0x1c]  }
0x7b: {  	[hbm4b:s5+s2] =	stream.indirect_vreg.scatter [tilespmem:s10], [sflag:$0x1], $0x80, v3, vm0, $0xb8;
	[tilespmem:$0x18080] =	vst v63  }
0x7c: {  	v3 =	vld [tilespmem:$0x18040];
	_ =	sdelay $0x4  }
0x7d: {  	v60 =	vshrl.u32 v3, $0x3  }
0x7e: {  	v4 =	vmul.u32 $0x30, v60  }
0x7f: {  	v3 =	vand.u32 $0x7, v3  }
0x80: {  	v3 =	vor.u32 v3, v4  }
0x81: {  	v4 =	vperm.xlane v3, v0;
	_ =	sdelay $0x1  }
0x82: {  	v4 =	vadd.s32 v1, v4;
	_ =	sdelay $0x3  }
0x83: {  	s10 =	rddreg [dreg:$0x1d];
	v3 =	vperm.xlane v3, v2  }
0x84: {  	[hbm4b:s3+s2] =	stream.indirect_vreg.scatter [tilespmem:s10], [sflag:$0x1], $0x80, v4, vm0, $0xb8;
	[tilespmem:$0x18080] =	vst v63  }
0x85: {  	s9 =	simm.s32 $0xC800;
	v3 =	vadd.s32 v1, v3  }
0x86: {  	[hbm4b:s4+s2] =	stream.indirect_vreg.scatter [tilespmem:s9], [sflag:$0x1], $0x80, v4, vm0, $0xb8;
	[tilespmem:$0x18080] =	vst v63  }
0x87: {  	s10 =	simm.s32 $0xD000  }
0x88: {  	[hbm4b:s5+s2] =	stream.indirect_vreg.scatter [tilespmem:s10], [sflag:$0x1], $0x80, v4, vm0, $0xb8;
	[tilespmem:$0x18080] =	vst v63  }
0x89: {  	_ = 	snop  }
0x8a: {  	[hbm4b:s3+s2] =	stream.indirect_vreg.scatter [tilespmem:s11], [sflag:$0x1], $0x80, v3, vm0, $0xb8;
	[tilespmem:$0x18080] =	vst v63  }
0x8b: {  	_ = 	snop  }
0x8c: {  	[hbm4b:s4+s2] =	stream.indirect_vreg.scatter [tilespmem:s12], [sflag:$0x1], $0x80, v3, vm0, $0xb8;
	[tilespmem:$0x18080] =	vst v63  }
0x8d: {  	_ = 	snop  }
0x8e: {  	[hbm4b:s5+s2] =	stream.indirect_vreg.scatter [tilespmem:s13], [sflag:$0x1], $0x80, v3, vm0, $0xb8;
	[tilespmem:$0x18080] =	vst v63  }
0x8f: {  	v3 =	vld [tilespmem:$0x18050];
	_ =	sdelay $0x4  }
0x90: {  	v61 =	vshrl.u32 v3, $0x3  }
0x91: {  	v4 =	vmul.u32 $0x30, v61  }
0x92: {  	v3 =	vand.u32 $0x7, v3  }
0x93: {  	v3 =	vor.u32 v3, v4  }
0x94: {  	v4 =	vperm.xlane v3, v0;
	_ =	sdelay $0x1  }
0x95: {  	v4 =	vadd.s32 v1, v4;
	_ =	sdelay $0x3  }
0x96: {  	v3 =	vperm.xlane v3, v2  }
0x97: {  	[hbm4b:s3+s2] =	stream.indirect_vreg.scatter [tilespmem:s14], [sflag:$0x1], $0x80, v4, vm0, $0xb8;
	[tilespmem:$0x18080] =	vst v63  }
0x98: {  	v3 =	vadd.s32 v1, v3  }
0x99: {  	[hbm4b:s4+s2] =	stream.indirect_vreg.scatter [tilespmem:s15], [sflag:$0x1], $0x80, v4, vm0, $0xb8;
	[tilespmem:$0x18080] =	vst v63  }
0x9a: {  	_ = 	snop  }
0x9b: {  	[hbm4b:s5+s2] =	stream.indirect_vreg.scatter [tilespmem:s16], [sflag:$0x1], $0x80, v4, vm0, $0xb8;
	[tilespmem:$0x18080] =	vst v63  }
0x9c: {  	_ = 	snop  }
0x9d: {  	[hbm4b:s3+s2] =	stream.indirect_vreg.scatter [tilespmem:s17], [sflag:$0x1], $0x80, v3, vm0, $0xb8;
	[tilespmem:$0x18080] =	vst v63  }
0x9e: {  	_ = 	snop  }
0x9f: {  	[hbm4b:s4+s2] =	stream.indirect_vreg.scatter [tilespmem:s18], [sflag:$0x1], $0x80, v3, vm0, $0xb8;
	[tilespmem:$0x18080] =	vst v63  }
0xa0: {  	_ = 	snop  }
0xa1: {  	[hbm4b:s5+s2] =	stream.indirect_vreg.scatter [tilespmem:s19], [sflag:$0x1], $0x80, v3, vm0, $0xb8;
	[tilespmem:$0x18080] =	vst v63  }
0xa2: {  	v3 =	vld [tilespmem:$0x18060];
	_ =	sdelay $0x4  }
0xa3: {  	v62 =	vshrl.u32 v3, $0x3  }
0xa4: {  	v4 =	vmul.u32 $0x30, v62  }
0xa5: {  	v3 =	vand.u32 $0x7, v3  }
0xa6: {  	v3 =	vor.u32 v3, v4  }
0xa7: {  	v4 =	vperm.xlane v3, v0;
	_ =	sdelay $0x1  }
0xa8: {  	v4 =	vadd.s32 v1, v4;
	_ =	sdelay $0x3  }
0xa9: {  	v3 =	vperm.xlane v3, v2  }
0xaa: {  	[hbm4b:s3+s2] =	stream.indirect_vreg.scatter [tilespmem:s20], [sflag:$0x1], $0x80, v4, vm0, $0xb8;
	[tilespmem:$0x18080] =	vst v63  }
0xab: {  	v3 =	vadd.s32 v1, v3  }
0xac: {  	[hbm4b:s4+s2] =	stream.indirect_vreg.scatter [tilespmem:s21], [sflag:$0x1], $0x80, v4, vm0, $0xb8;
	[tilespmem:$0x18080] =	vst v63  }
0xad: {  	_ = 	snop  }
0xae: {  	[hbm4b:s5+s2] =	stream.indirect_vreg.scatter [tilespmem:s22], [sflag:$0x1], $0x80, v4, vm0, $0xb8;
	[tilespmem:$0x18080] =	vst v63  }
0xaf: {  	_ = 	snop  }
0xb0: {  	[hbm4b:s3+s2] =	stream.indirect_vreg.scatter [tilespmem:s23], [sflag:$0x1], $0x80, v3, vm0, $0xb8;
	[tilespmem:$0x18080] =	vst v63  }
0xb1: {  	_ = 	snop  }
0xb2: {  	[hbm4b:s4+s2] =	stream.indirect_vreg.scatter [tilespmem:s24], [sflag:$0x1], $0x80, v3, vm0, $0xb8;
	[tilespmem:$0x18080] =	vst v63  }
0xb3: {  	_ = 	snop  }
0xb4: {  	[hbm4b:s5+s2] =	stream.indirect_vreg.scatter [tilespmem:s25], [sflag:$0x1], $0x80, v3, vm0, $0xb8;
	[tilespmem:$0x18080] =	vst v63  }
0xb5: {  	v3 =	vld [tilespmem:$0x18070];
	_ =	sdelay $0x4  }
0xb6: {  	v63 =	vshrl.u32 v3, $0x3  }
0xb7: {  	v4 =	vmul.u32 $0x30, v63  }
0xb8: {  	v3 =	vand.u32 $0x7, v3  }
0xb9: {  	v3 =	vor.u32 v3, v4  }
0xba: {  	v4 =	vperm.xlane v3, v0;
	_ =	sdelay $0x1  }
0xbb: {  	v4 =	vadd.s32 v1, v4;
	_ =	sdelay $0x3  }
0xbc: {  	v3 =	vperm.xlane v3, v2  }
0xbd: {  	[hbm4b:s3+s2] =	stream.indirect_vreg.scatter [tilespmem:s26], [sflag:$0x1], $0x80, v4, vm0, $0xb8;
	[tilespmem:$0x18080] =	vst v63  }
0xbe: {  	v3 =	vadd.s32 v1, v3  }
0xbf: {  	[hbm4b:s4+s2] =	stream.indirect_vreg.scatter [tilespmem:s28], [sflag:$0x1], $0x80, v4, vm0, $0xb8;
	[tilespmem:$0x18080] =	vst v63  }
0xc0: {  	_ = 	snop  }
0xc1: {  	[hbm4b:s5+s2] =	stream.indirect_vreg.scatter [tilespmem:s29], [sflag:$0x1], $0x80, v4, vm0, $0xb8;
	[tilespmem:$0x18080] =	vst v63  }
0xc2: {  	_ = 	snop  }
0xc3: {  	[hbm4b:s3+s2] =	stream.indirect_vreg.scatter [tilespmem:s30], [sflag:$0x1], $0x80, v3, vm0, $0xb8;
	[tilespmem:$0x18080] =	vst v63  }
0xc4: {  	p0 =	sne.s32 s6, $0x1  }
0xc5: {  	[hbm4b:s4+s2] =	stream.indirect_vreg.scatter [tilespmem:s31], [sflag:$0x1], $0x80, v3, vm0, $0xb8;
	[tilespmem:$0x18080] =	vst v63  }
.Ltmp0:
0xc6: {  	_ = 	snop;
	(pc) =	sbr.rel @p0 .LBB2_1-.Ltmp0, $4  }
0xc7: {  	[hbm4b:s5+s2] =	stream.indirect_vreg.scatter [tilespmem:s1], [sflag:$0x1], $0x80, v3, vm0, $0xb8;
	[tilespmem:$0x18080] =	vst v63  }
0xc8: {  	_ =	swait.ge [sflag:s8], $0x18000  }
0xc9: {  	[sflag:s8] =	ssyncset.done $0x0  }
0xca: {  	s6 =	sadd.s32 $0xFFFFFFFF, s6;
	[sflag:s8] =	ssyncadd.s32 $0xFFFE8000  }
0xcb: {  	_ =	sfence.sel $0x180000  }
0xcc: {  	[bflag:$0x0] =	sbarrier.arrive $0xFFFF  }
0xcd: {  	_ =	strace $0x90000047  }
0xce: {  	s0 =	stileid.u32;
	[bflag:$0x2] =	sbarrier.arrive $0xFFFF  }
0xcf: {  	p0 =	sne.s32 s0, $0x0;
	s0 =	rddreg [dreg:$0x2]  }
0xd0: {  	s0 =	sadd.s32 @!p0 $0x100000, s0  }
0xd1: {  	[sflag:s0] =	ssyncadd.tile.s32 @!p0 $0x1;
	_ =	shalt  }
.Lfunc_end2:
_tile_overlayer_lowered:
.L_overlay_start_2:
0xd2: {  	(tag) =	ssettag $0x2  }
0xd3: {  	s0 =	rddreg [dreg:$0x0];
	s2 =	stileid.u32  }
0xd4: {  	s1 =	rddreg [dreg:$0x1];
	p0 =	sne.s32 s2, $0x0  }
0xd5: {  	s3 =	rddreg [dreg:$0x2];
	[bflag:$0x3] =	sbarrier.arrive $0xFFFF;
	s2 =	simm.s32 @!p0 $0x1C02  }
0xd6: {  	[timem:s3], [sflag:s2] =	dma.local @!p0 [hbm:s0], s1  }
0xd7: {  	s0 =	simm.s32 @!p0 $0x2  }
0xd8: {  	_ =	swait.ge @!p0 [sflag:s0], s1  }
0xd9: {  	s1 =	ssub.s32 @!p0 $0x0, s1;
	[sflag:s0] =	ssyncset.done @!p0 $0x0  }
0xda: {  	[sflag:s0] =	ssyncadd.s32 @!p0 s1  }
0xdb: {  	[bflag:$0x3] =	sbarrier.arrive $0xFFFF  }
0xdc: {  	_ =	shalt  }

// kernel: kernel.9.cloned.1.call-start
scs
__scs_entry_jumppad:
0x0: {  	(pc) =	sbr.rel $0x88, $3  }
0x1: {  	(tag) =	ssettag $0x0;
	lr =	simm.s32 $0x1  }
0x2: {  	[smem:$0x3F9C] =	sst lr;
	_ =	strace $0xD0000000  }
0x3: {  	_ = 	snop  }
0x4: {  	_ = 	snop  }
0x5: {  	_ = 	snop  }
0x6: {  	_ = 	snop  }
0x7: {  	_ = 	snop  }
__scs_overlays_trampoline_lowered:
0x8: {  	[smem:$0x3FAB] =	sst s0  }
0x9: {  	[smem:$0x3FAC] =	sst s1  }
0xa: {  	[smem:$0x3FAD] =	sst s2  }
0xb: {  	[smem:$0x3FAE] =	sst s3  }
0xc: {  	[smem:$0x3FAF] =	sst s4  }
0xd: {  	[smem:$0x3FB0] =	sst s5  }
0xe: {  	[smem:$0x3FB1] =	sst s6  }
0xf: {  	[smem:$0x3FB2] =	sst s7  }
0x10: {  	[smem:$0x3FB3] =	sst s8  }
0x11: {  	[smem:$0x3FB4] =	sst s9;
	s0 =	simm.s32 @!p0 $0x0  }
0x12: {  	s1 =	sld [smem:$0x3F9A];
	s0 =	simm.s32 @p0 $0x1  }
0x13: {  	[smem:$0x3FB5] =	sst s0;
	s0 =	simm.s32 @!p1 $0x0  }
0x14: {  	s2 =	sld [smem:$0x3F99];
	s0 =	simm.s32 @p1 $0x1  }
0x15: {  	[smem:$0x3FB6] =	sst s0;
	s0 =	simm.s32 @!p2 $0x0  }
0x16: {  	s3 =	sld [smem:$0x3FDB];
	s0 =	simm.s32 @p2 $0x1  }
0x17: {  	s4 =	simm.s32 $0x1BF5;
	[smem:$0x3FB8] =	sst s0  }
0x18: {  	s0 =	sld [smem:$0x3F9B];
	_ =	swait.ge [sflag:s4], $0x0  }
0x19: {  	s7 =	sld [smem:$0x3F9C]  }
0x1a: {  	s8 =	sadd.s32 $0xFFFFE003, lr  }
0x1b: {  	s9 =	sadd.s32 $0xFFFFFEF7, lr;
	s5 =	simm.s32 $0xFFFFFFFF;
	p2 =	slt.u32 s8, $0xFFFFF086  }
0x1c: {  	p1 =	slt.u32 s9, $0xF7A;
	s5 =	simm.s32 @!p2 $0x0  }
0x1d: {  	s5 =	simm.s32 @p1 $0x1;
	p0 =	seq.s32 s7, s2  }
0x1e: {  	s7 =	smul.u32 @!p0 $0xF7A, s2;
	p2 =	seq.s32 @!p0 s5, $0x0  }
0x1f: {  	s9 =	smul.u32 $0xF7A, s1;
	s8 =	simm.s32 @!p0 $0x1BF5;
	p2 =	por !p2, p0  }
0x20: {  	[sflag:s8] =	ssyncset.s32 @!p0 $0xFFFFF086;
	s6 =	sadd.s32 @!p0 s3, s7;
	s7 =	simm.s32 @!p0 $0x108  }
0x21: {  	s3 =	sadd.s32 s3, s9;
	s6 =	sadd.s32 @!p0 $0x88, s6;
	s7 =	simm.s32 @p2 $0x1082  }
0x22: {  	[simem:s7], [sflag:s8] =	dma.local @!p0 [hbm:s6], $0xF7A  }
0x23: {  	s9 =	sor.u32 $0xD0000000, s2;
	s6 =	simm.s32 $0x108;
	_ =	swait.ge @!p0 [sflag:s8], $0x0  }
0x24: {  	s3 =	sadd.s32 $0x88, s3;
	s6 =	simm.s32 @!p1 $0x1082;
	[sflag:s4] =	ssyncset.s32 $0xFFFFF086  }
0x25: {  	[simem:s6], [sflag:s4] =	dma.local [hbm:s3], $0xF7A  }
0x26: {  	[smem:$0x3F9C] =	sst s1;
	(tag) =	ssettag s2;
	_ =	strace s9  }
0x27: {  	s1 =	sld [smem:$0x3FAC]  }
0x28: {  	s2 =	sld [smem:$0x3FAD]  }
0x29: {  	s4 =	sld [smem:$0x3FAF]  }
0x2a: {  	p0 =	seq.s32 s5, $0x0;
	s5 =	sld [smem:$0x3FB0]  }
0x2b: {  	s6 =	sld [smem:$0x3FB1]  }
0x2c: {  	s7 =	sld [smem:$0x3FB2]  }
0x2d: {  	s3 =	simm.s32 $0x108;
	s8 =	sld [smem:$0x3FB3]  }
0x2e: {  	s3 =	simm.s32 @!p0 $0x1082;
	s9 =	sld [smem:$0x3FB4]  }
0x2f: {  	lr =	sadd.s32 s0, s3;
	s0 =	sld [smem:$0x3FAB]  }
0x30: {  	s3 =	sld [smem:$0x3FAE]  }
0x31: {  	[smem:$0x3FB7] =	sst s10  }
0x32: {  	s10 =	sld [smem:$0x3FB5];
	_ =	sdelay $0x3  }
0x33: {  	p0 =	seq.s32 s10, $0x1;
	s10 =	sld [smem:$0x3FB7];
	_ =	sdelay $0x3  }
0x34: {  	[smem:$0x3FB7] =	sst s10  }
0x35: {  	s10 =	sld [smem:$0x3FB6];
	_ =	sdelay $0x3  }
0x36: {  	p1 =	seq.s32 s10, $0x1;
	s10 =	sld [smem:$0x3FB7];
	_ =	sdelay $0x3  }
0x37: {  	[smem:$0x3FB7] =	sst s10  }
0x38: {  	s10 =	sld [smem:$0x3FB8]  }
0x39: {  	_ = 	snop;
	(pc) =	sbr.ind lr, $3  }
0x3a: {  	_ = 	snop  }
0x3b: {  	_ = 	snop  }
0x3c: {  	p2 =	seq.s32 s10, $0x1;
	s10 =	sld [smem:$0x3FB7]  }
0x3d: {  	_ =	shalt  }
0x3e: {  	_ =	shalt  }
0x3f: {  	_ =	shalt  }
0x40: {  	_ =	shalt  }
0x41: {  	_ =	shalt  }
0x42: {  	_ =	shalt  }
0x43: {  	_ =	shalt  }
0x44: {  	_ =	shalt  }
0x45: {  	_ =	shalt  }
0x46: {  	_ =	shalt  }
0x47: {  	_ =	shalt  }
0x48: {  	_ =	shalt  }
0x49: {  	_ =	shalt  }
0x4a: {  	_ =	shalt  }
0x4b: {  	_ =	shalt  }
0x4c: {  	_ =	shalt  }
0x4d: {  	_ =	shalt  }
0x4e: {  	_ =	shalt  }
0x4f: {  	_ =	shalt  }
0x50: {  	_ =	shalt  }
0x51: {  	_ =	shalt  }
0x52: {  	_ =	shalt  }
0x53: {  	_ =	shalt  }
0x54: {  	_ =	shalt  }
0x55: {  	_ =	shalt  }
0x56: {  	_ =	shalt  }
0x57: {  	_ =	shalt  }
0x58: {  	_ =	shalt  }
0x59: {  	_ =	shalt  }
0x5a: {  	_ =	shalt  }
0x5b: {  	_ =	shalt  }
0x5c: {  	_ =	shalt  }
0x5d: {  	_ =	shalt  }
0x5e: {  	_ =	shalt  }
0x5f: {  	_ =	shalt  }
0x60: {  	_ =	shalt  }
0x61: {  	_ =	shalt  }
0x62: {  	_ =	shalt  }
0x63: {  	_ =	shalt  }
0x64: {  	_ =	shalt  }
0x65: {  	_ =	shalt  }
0x66: {  	_ =	shalt  }
0x67: {  	_ =	shalt  }
0x68: {  	_ =	shalt  }
0x69: {  	_ =	shalt  }
0x6a: {  	_ =	shalt  }
0x6b: {  	_ =	shalt  }
0x6c: {  	_ =	shalt  }
0x6d: {  	_ =	shalt  }
0x6e: {  	_ =	shalt  }
0x6f: {  	_ =	shalt  }
0x70: {  	_ =	shalt  }
0x71: {  	_ =	shalt  }
0x72: {  	_ =	shalt  }
0x73: {  	_ =	shalt  }
0x74: {  	_ =	shalt  }
0x75: {  	_ =	shalt  }
0x76: {  	_ =	shalt  }
0x77: {  	_ =	shalt  }
0x78: {  	_ =	shalt  }
0x79: {  	_ =	shalt  }
0x7a: {  	_ =	shalt  }
0x7b: {  	_ =	shalt  }
0x7c: {  	_ =	shalt  }
0x7d: {  	_ =	shalt  }
0x7e: {  	_ =	shalt  }
0x7f: {  	_ =	shalt  }
0x80: {  	_ =	shalt  }
0x81: {  	_ =	shalt  }
0x82: {  	_ =	shalt  }
0x83: {  	_ =	shalt  }
0x84: {  	_ =	shalt  }
0x85: {  	_ =	shalt  }
0x86: {  	_ =	shalt  }
0x87: {  	_ =	shalt  }
.Lfunc_end0:
.L_simem_size_0:
called_computation.1_lowered:
.L_overlay_start_0:
0x88: {  	s2 =	sld [smem:$0x3FD9]  }
0x89: {  	s3 =	sld [smem:$0x3FFE];
	_ =	sdelay $0x1  }
0x8a: {  	s1 =	srdreg.scid  }
0x8b: {  	s0 =	sand.u32 $0x1, s1  }
0x8c: {  	s17 =	sshll.u32 s0, $0xA;
	s2 =	sadd.s32 s3, s2  }
0x8d: {  	s2 =	sadd.s32 s2, s17  }
0x8e: {  	[smem:$0x3FC3] =	sst s2  }
0x8f: {  	_ = 	snop  }
0x90: {  	s2 =	sld [smem:$0x3FD0];
	(tm) =	ssettm $0x1  }
0x91: {  	s18 =	sld [smem:$0x3FFB];
	_ =	sdelay $0x3  }
0x92: {  	_ =	strace s18  }
0x93: {  	s3 =	sld [smem:$0x3FFC];
	_ =	sdelay $0x3  }
0x94: {  	_ =	strace s3  }
0x95: {  	s3 =	sld [smem:$0x3FFD];
	_ =	sdelay $0x3  }
0x96: {  	_ =	strace s3  }
0x97: {  	_ =	strace $0x8FFFFFFF  }
0x98: {  	s19 =	sld [smem:$0x3FDB];
	_ =	sdelay $0x1  }
0x99: {  	s4 =	simm.s32 $_scs_section_size  }
0x9a: {  	s5 =	simm.s32 $_size__tile_overlayer_lowered;
	s6 =	simm.s32 $_tile_overlayer_lowered  }
0x9b: {  	s22 =	simm.s32 $0x1BFF;
	s21 =	sshll.u32 s6, $0x1;
	s3 =	sadd.s32 s4, s19  }
0x9c: {  	s7 =	simm.s32 $0x0;
	s20 =	sshll.u32 s5, $0x1;
	s5 =	sadd.s32 s21, s3  }
0x9d: {  	[timem:s7], [sflag:s22] =	dma.local [hbm:s5], s20  }
0x9e: {  	_ =	swait.ge [sflag:s22], s20  }
0x9f: {  	s4 =	ssub.s32 $0x0, s20;
	[sflag:s22] =	ssyncset.done $0x0  }
0xa0: {  	[sflag:s22] =	ssyncadd.s32 s4;
	_ =	sdelay $0x1  }
0xa1: {  	s23 =	simm.s32 $0x1B8B  }
0xa2: {  	_ =	swait.ge [sflag:s23], $0x1  }
0xa3: {  	[sflag:s23] =	ssyncset.done $0x0  }
0xa4: {  	s25 =	simm.s32 $0x1B8E;
	s24 =	sld [smem:$0x3FFE];
	[sflag:s23] =	ssyncadd.s32 $0xFFFFFFFF  }
0xa5: {  	s26 =	simm.s32 $execute0_lowered;
	[smem:$0x3FD2] =	sst s25  }
0xa6: {  	s5 =	sshll.u32 s26, $0x1;
	_ =	strace $0x80000049;
	[dreg:$0x1] =	wrdreg $0xFFFFFFFF  }
0xa7: {  	s28 =	simm.s32 $_size_execute0_lowered;
	s3 =	sadd.s32 s3, s5;
	[dreg:$0x0] =	wrdreg $0x0  }
0xa8: {  	s5 =	sshll.u32 s28, $0x1;
	[dreg:$0x2] =	wrdreg s3  }
0xa9: {  	[dreg:$0x3] =	wrdreg s5  }
0xaa: {  	[dreg:$0x4] =	wrdreg $0xC0  }
0xab: {  	_ =	task [dreg:s7], $0x5FFFF  }
0xac: {  	[dreg:$0x1] =	wrdreg $0xFFFFFFFF  }
0xad: {  	[dreg:$0x0] =	wrdreg $0x60  }
0xae: {  	[dreg:$0x2] =	wrdreg s24  }
0xaf: {  	[dreg:$0x3] =	wrdreg s2  }
0xb0: {  	[dreg:$0x4] =	wrdreg $0x9  }
0xb1: {  	_ =	task.clear_ibuf [dreg:s7], $0x5FFFF;
	_ =	strace $0x90000049  }
0xb2: {  	s29 =	simm.s32 $0x9;
	_ =	strace $0x8000004B  }
0xb3: {  	_ =	swait.ge [sflag:s29], $0x1  }
0xb4: {  	[sflag:s29] =	ssyncadd.s32 $0xFFFFFFFF  }
0xb5: {  	_ =	strace $0x9000004B  }
0xb6: {  	_ =	sfence  }
0xb7: {  	s30 =	sld [smem:$0x0];
	_ =	sdelay $0x2  }
0xb8: {  	s31 =	sshll.u32 s1, $0xD;
	s1 =	sshrl.u32 s1, $0x2  }
0xb9: {  	s3 =	sand.u32 $0x4000, s31;
	s1 =	sadd.s32 s1, s30  }
0xba: {  	s0 =	sor.u32 s3, s0;
	s1 =	sshll.u32 s1, $0x11  }
0xbb: {  	s0 =	sor.u32 s1, s0  }
0xbc: {  	s0 =	sadd.s32 $0x8F2B, s0  }
0xbd: {  	[sflag:s0] =	ssyncadd.remote.s32 $0x1  }
0xbe: {  	_ =	sfence.sel $0xFFFF  }
0xbf: {  	[dreg:$0x0] =	wrdreg $0xFFFFFFFF;
	(pc) =	sbr.abs _section_cstart, $3  }
0xc0: {  	[dreg:$0x1] =	wrdreg $0xFFFFFFFF  }
0xc1: {  	_ =	task.clear_ibuf [dreg:s7], $0x2FFFF;
	_ =	strace $0x9FFFFFFF  }
0xc2: {  	(tm) =	ssettm $0x7FFFFFFF  }
0xc3: {  	_ =	shalt  }
tec
execute0_lowered:
.L_overlay_start_1:
0x0: {  	(tag) =	ssettag $0x1  }
0x1: {  	s2 =	srdreg.scid;
	s1 =	rddreg [dreg:$0x0]  }
0x2: {  	s3 =	rddreg [dreg:$0x1];
	s4 =	sand.u32 $0x1, s2;
	s2 =	simm.s32 $0x0  }
0x3: {  	s0 =	stileid.u32;
	s25 =	simm.s32 $0x880;
	[smem:$0x7FF] =	sst s2  }
0x4: {  	s26 =	simm.s32 $0x1080;
	_ =	strace $0x8000004A;
	[dreg:$0x5] =	wrdreg s25  }
0x5: {  	s5 =	sshll.u32 s0, $0x5;
	s0 =	simm.s32 $0x1880;
	[dreg:$0x6] =	wrdreg s26  }
0x6: {  	s7 =	simm.s32 $0x3080;
	[dreg:$0x7] =	wrdreg s0  }
0x7: {  	s8 =	simm.s32 $0x3880;
	[dreg:$0xa] =	wrdreg s7  }
0x8: {  	s9 =	simm.s32 $0x4080;
	[dreg:$0xb] =	wrdreg s8  }
0x9: {  	s10 =	simm.s32 $0x4880;
	[dreg:$0xc] =	wrdreg s9  }
0xa: {  	s11 =	simm.s32 $0x5080;
	[dreg:$0xd] =	wrdreg s10  }
0xb: {  	s12 =	simm.s32 $0x5880;
	[dreg:$0xe] =	wrdreg s11  }
0xc: {  	s13 =	simm.s32 $0x6080;
	[dreg:$0xf] =	wrdreg s12  }
0xd: {  	s14 =	simm.s32 $0x6880;
	[dreg:$0x10] =	wrdreg s13  }
0xe: {  	s15 =	simm.s32 $0x7080;
	[dreg:$0x11] =	wrdreg s14  }
0xf: {  	s16 =	simm.s32 $0x7880;
	s17 =	simm.s32 $0x8080;
	[dreg:$0x12] =	wrdreg s15  }
0x10: {  	s18 =	simm.s32 $0x8880;
	s19 =	simm.s32 $0x9080;
	[dreg:$0x13] =	wrdreg s16  }
0x11: {  	s21 =	simm.s32 $0x9880;
	s22 =	simm.s32 $0xA080;
	[dreg:$0x14] =	wrdreg s17  }
0x12: {  	s23 =	simm.s32 $0xB080;
	s24 =	simm.s32 $0xB880;
	[dreg:$0x15] =	wrdreg s18  }
0x13: {  	s28 =	simm.s32 $0x16080;
	s29 =	simm.s32 $0x16880;
	[dreg:$0x16] =	wrdreg s19  }
0x14: {  	s30 =	simm.s32 $0x17080;
	s31 =	simm.s32 $0x17880;
	[dreg:$0x17] =	wrdreg s21  }
0x15: {  	s6 =	sshll.u32 s4, $0x4;
	s4 =	ssub.s32 $0x2, s4;
	[dreg:$0x18] =	wrdreg s22  }
0x16: {  	s5 =	sor.u32 s6, s5;
	s20 =	sshrl.u32 s4, $0x1;
	[dreg:$0x1a] =	wrdreg s23  }
0x17: {  	s7 =	simm.s32 $0xA880;
	[dreg:$0x1b] =	wrdreg s24;
	s25 =	simm.s32 $0xC080  }
0x18: {  	s8 =	simm.s32 $0x80;
	s26 =	simm.s32 $0xC880;
	s10 =	simm.s32 $0xD880  }
0x19: {  	s11 =	simm.s32 $0xE080;
	s12 =	simm.s32 $0xE880;
	s13 =	simm.s32 $0xF080  }
0x1a: {  	s14 =	simm.s32 $0xF880;
	s15 =	simm.s32 $0x10080;
	s16 =	simm.s32 $0x10880  }
0x1b: {  	s17 =	simm.s32 $0x11080;
	s18 =	simm.s32 $0x11880;
	s19 =	simm.s32 $0x12080  }
0x1c: {  	s21 =	simm.s32 $0x13080;
	s22 =	simm.s32 $0x13880;
	[dreg:$0x19] =	wrdreg s7  }
0x1d: {  	s6 =	sadd.s32 s5, s1;
	s5 =	smul.u32 $0x300, s5;
	[dreg:$0x1c] =	wrdreg s25  }
0x1e: {  	s23 =	simm.s32 $0x14080;
	[dreg:$0x1d] =	wrdreg s26;
	s6 =	sadd.s32 $0x200, s6  }
0x1f: {  	s24 =	simm.s32 $0x14880;
	[dreg:$0x3] =	wrdreg s6;
	s3 =	sadd.s32 s3, s5  }
0x20: {  	s7 =	simm.s32 $0x2;
	s5 =	simm.s32 $0x2080;
	[dreg:$0x4] =	wrdreg s3  }
0x21: {  	s25 =	simm.s32 $0x15080;
	s6 =	simm.s32 $0x2880;
	[dreg:$0x8] =	wrdreg s5  }
0x22: {  	v2 =	vlaneseq.u32;
	s26 =	simm.s32 $0x15880;
	[dreg:$0x9] =	wrdreg s6;
	s3 =	sadd.s32 $0x400, s1  }
0x23: {  	vm0 =	vmmov $0xffff;
	v1 =	vshrl.u32 v2, $0x3;
	s6 =	ssub.s32 s4, s20;
	s4 =	sadd.s32 $0x500, s1;
	s5 =	sadd.s32 $0x600, s1  }
0x24: {  	v0 =	vand.u32 $0x7, v2;
	v2 =	vor.u32 $0x8, v2;
	v1 =	vmul.u32 $0x8, v1;
	s20 =	simm.s32 $0x12880;
	s1 =	simm.s32 $0x1;
	s6 =	smax.u32 s6, $0x1  }
.LBB2_1:
0x25: {  	s0 =	rddreg [dreg:$0x3]  }
0x26: {  	[tilespmem:s2], [sflag:$0x2] =	stream.linear.gather [hbm4b:s0+s2], $0x80, $0x38;
	[tilespmem:$0x18080] =	vst v63  }
0x27: {  	_ =	swait.ge [sflag:s7], $0x80  }
0x28: {  	[sflag:s7] =	ssyncset.done $0x0  }
0x29: {  	[sflag:s7] =	ssyncadd.s32 $0xFFFFFF80  }
0x2a: {  	v3 =	vld [tilespmem:$0x0];
	_ =	sdelay $0x4  }
0x2b: {  	v4 =	vshrl.u32 v3, $0x3  }
0x2c: {  	v4 =	vmul.u32 $0x30, v4  }
0x2d: {  	v3 =	vand.u32 $0x7, v3  }
0x2e: {  	v3 =	vor.u32 v3, v4  }
0x2f: {  	v4 =	vperm.xlane v3, v0;
	_ =	sdelay $0x1  }
0x30: {  	v4 =	vadd.s32 v1, v4;
	_ =	sdelay $0x3  }
0x31: {  	v3 =	vperm.xlane v3, v2  }
0x32: {  	[tilespmem:s8], [sflag:$0x1] =	stream.indirect_vreg.gather [hbm4b:s3+s2], $0x80, v4, vm0, $0xb8;
	[tilespmem:$0x18080] =	vst v63  }
0x33: {  	s0 =	rddreg [dreg:$0x5];
	v3 =	vadd.s32 v1, v3  }
0x34: {  	[tilespmem:s0], [sflag:$0x1] =	stream.indirect_vreg.gather [hbm4b:s4+s2], $0x80, v4, vm0, $0xb8;
	[tilespmem:$0x18080] =	vst v63  }
0x35: {  	s9 =	rddreg [dreg:$0x6]  }
0x36: {  	[tilespmem:s9], [sflag:$0x1] =	stream.indirect_vreg.gather [hbm4b:s5+s2], $0x80, v4, vm0, $0xb8;
	[tilespmem:$0x18080] =	vst v63  }
0x37: {  	s0 =	rddreg [dreg:$0x7]  }
0x38: {  	[tilespmem:s0], [sflag:$0x1] =	stream.indirect_vreg.gather [hbm4b:s3+s2], $0x80, v3, vm0, $0xb8;
	[tilespmem:$0x18080] =	vst v63  }
0x39: {  	s9 =	rddreg [dreg:$0x8]  }
0x3a: {  	[tilespmem:s9], [sflag:$0x1] =	stream.indirect_vreg.gather [hbm4b:s4+s2], $0x80, v3, vm0, $0xb8;
	[tilespmem:$0x18080] =	vst v63  }
0x3b: {  	s0 =	rddreg [dreg:$0x9]  }
0x3c: {  	[tilespmem:s0], [sflag:$0x1] =	stream.indirect_vreg.gather [hbm4b:s5+s2], $0x80, v3, vm0, $0xb8;
	[tilespmem:$0x18080] =	vst v63  }
0x3d: {  	v3 =	vld [tilespmem:$0x10];
	_ =	sdelay $0x4  }
0x3e: {  	v57 =	vshrl.u32 v3, $0x3  }
0x3f: {  	v4 =	vmul.u32 $0x30, v57  }
0x40: {  	v3 =	vand.u32 $0x7, v3  }
0x41: {  	v3 =	vor.u32 v3, v4  }
0x42: {  	v4 =	vperm.xlane v3, v0;
	_ =	sdelay $0x1  }
0x43: {  	v4 =	vadd.s32 v1, v4;
	_ =	sdelay $0x3  }
0x44: {  	s0 =	rddreg [dreg:$0xa];
	v3 =	vperm.xlane v3, v2  }
0x45: {  	[tilespmem:s0], [sflag:$0x1] =	stream.indirect_vreg.gather [hbm4b:s3+s2], $0x80, v4, vm0, $0xb8;
	[tilespmem:$0x18080] =	vst v63  }
0x46: {  	s9 =	rddreg [dreg:$0xb];
	v3 =	vadd.s32 v1, v3  }
0x47: {  	[tilespmem:s9], [sflag:$0x1] =	stream.indirect_vreg.gather [hbm4b:s4+s2], $0x80, v4, vm0, $0xb8;
	[tilespmem:$0x18080] =	vst v63  }
0x48: {  	s0 =	rddreg [dreg:$0xc]  }
0x49: {  	[tilespmem:s0], [sflag:$0x1] =	stream.indirect_vreg.gather [hbm4b:s5+s2], $0x80, v4, vm0, $0xb8;
	[tilespmem:$0x18080] =	vst v63  }
0x4a: {  	s9 =	rddreg [dreg:$0xd]  }
0x4b: {  	[tilespmem:s9], [sflag:$0x1] =	stream.indirect_vreg.gather [hbm4b:s3+s2], $0x80, v3, vm0, $0xb8;
	[tilespmem:$0x18080] =	vst v63  }
0x4c: {  	s0 =	rddreg [dreg:$0xe]  }
0x4d: {  	[tilespmem:s0], [sflag:$0x1] =	stream.indirect_vreg.gather [hbm4b:s4+s2], $0x80, v3, vm0, $0xb8;
	[tilespmem:$0x18080] =	vst v63  }
0x4e: {  	s9 =	rddreg [dreg:$0xf]  }
0x4f: {  	[tilespmem:s9], [sflag:$0x1] =	stream.indirect_vreg.gather [hbm4b:s5+s2], $0x80, v3, vm0, $0xb8;
	[tilespmem:$0x18080] =	vst v63  }
0x50: {  	v3 =	vld [tilespmem:$0x20];
	_ =	sdelay $0x4  }
0x51: {  	v58 =	vshrl.u32 v3, $0x3  }
0x52: {  	v4 =	vmul.u32 $0x30, v58  }
0x53: {  	v3 =	vand.u32 $0x7, v3  }
0x54: {  	v3 =	vor.u32 v3, v4  }
0x55: {  	v4 =	vperm.xlane v3, v0;
	_ =	sdelay $0x1  }
0x56: {  	v4 =	vadd.s32 v1, v4;
	_ =	sdelay $0x3  }
0x57: {  	s0 =	rddreg [dreg:$0x10];
	v3 =	vperm.xlane v3, v2  }
0x58: {  	[tilespmem:s0], [sflag:$0x1] =	stream.indirect_vreg.gather [hbm4b:s3+s2], $0x80, v4, vm0, $0xb8;
	[tilespmem:$0x18080] =	vst v63  }
0x59: {  	s9 =	rddreg [dreg:$0x11];
	v3 =	vadd.s32 v1, v3  }
0x5a: {  	[tilespmem:s9], [sflag:$0x1] =	stream.indirect_vreg.gather [hbm4b:s4+s2], $0x80, v4, vm0, $0xb8;
	[tilespmem:$0x18080] =	vst v63  }
0x5b: {  	s0 =	rddreg [dreg:$0x12]  }
0x5c: {  	[tilespmem:s0], [sflag:$0x1] =	stream.indirect_vreg.gather [hbm4b:s5+s2], $0x80, v4, vm0, $0xb8;
	[tilespmem:$0x18080] =	vst v63  }
0x5d: {  	s9 =	rddreg [dreg:$0x13]  }
0x5e: {  	[tilespmem:s9], [sflag:$0x1] =	stream.indirect_vreg.gather [hbm4b:s3+s2], $0x80, v3, vm0, $0xb8;
	[tilespmem:$0x18080] =	vst v63  }
0x5f: {  	s0 =	rddreg [dreg:$0x14]  }
0x60: {  	[tilespmem:s0], [sflag:$0x1] =	stream.indirect_vreg.gather [hbm4b:s4+s2], $0x80, v3, vm0, $0xb8;
	[tilespmem:$0x18080] =	vst v63  }
0x61: {  	s9 =	rddreg [dreg:$0x15]  }
0x62: {  	[tilespmem:s9], [sflag:$0x1] =	stream.indirect_vreg.gather [hbm4b:s5+s2], $0x80, v3, vm0, $0xb8;
	[tilespmem:$0x18080] =	vst v63  }
0x63: {  	v3 =	vld [tilespmem:$0x30];
	_ =	sdelay $0x4  }
0x64: {  	v59 =	vshrl.u32 v3, $0x3  }
0x65: {  	v4 =	vmul.u32 $0x30, v59  }
0x66: {  	v3 =	vand.u32 $0x7, v3  }
0x67: {  	v3 =	vor.u32 v3, v4  }
0x68: {  	v4 =	vperm.xlane v3, v0;
	_ =	sdelay $0x1  }
0x69: {  	v4 =	vadd.s32 v1, v4;
	_ =	sdelay $0x3  }
0x6a: {  	s0 =	rddreg [dreg:$0x16];
	v3 =	vperm.xlane v3, v2  }
0x6b: {  	[tilespmem:s0], [sflag:$0x1] =	stream.indirect_vreg.gather [hbm4b:s3+s2], $0x80, v4, vm0, $0xb8;
	[tilespmem:$0x18080] =	vst v63  }
0x6c: {  	s9 =	rddreg [dreg:$0x17];
	v3 =	vadd.s32 v1, v3  }
0x6d: {  	[tilespmem:s9], [sflag:$0x1] =	stream.indirect_vreg.gather [hbm4b:s4+s2], $0x80, v4, vm0, $0xb8;
	[tilespmem:$0x18080] =	vst v63  }
0x6e: {  	s0 =	rddreg [dreg:$0x18]  }
0x6f: {  	[tilespmem:s0], [sflag:$0x1] =	stream.indirect_vreg.gather [hbm4b:s5+s2], $0x80, v4, vm0, $0xb8;
	[tilespmem:$0x18080] =	vst v63  }
0x70: {  	s9 =	rddreg [dreg:$0x19]  }
0x71: {  	[tilespmem:s9], [sflag:$0x1] =	stream.indirect_vreg.gather [hbm4b:s3+s2], $0x80, v3, vm0, $0xb8;
	[tilespmem:$0x18080] =	vst v63  }
0x72: {  	s0 =	rddreg [dreg:$0x1a]  }
0x73: {  	[tilespmem:s0], [sflag:$0x1] =	stream.indirect_vreg.gather [hbm4b:s4+s2], $0x80, v3, vm0, $0xb8;
	[tilespmem:$0x18080] =	vst v63  }
0x74: {  	s9 =	rddreg [dreg:$0x1b]  }
0x75: {  	[tilespmem:s9], [sflag:$0x1] =	stream.indirect_vreg.gather [hbm4b:s5+s2], $0x80, v3, vm0, $0xb8;
	[tilespmem:$0x18080] =	vst v63  }
0x76: {  	v3 =	vld [tilespmem:$0x40];
	_ =	sdelay $0x4  }
0x77: {  	v60 =	vshrl.u32 v3, $0x3  }
0x78: {  	v4 =	vmul.u32 $0x30, v60  }
0x79: {  	v3 =	vand.u32 $0x7, v3  }
0x7a: {  	v3 =	vor.u32 v3, v4  }
0x7b: {  	v4 =	vperm.xlane v3, v0;
	_ =	sdelay $0x1  }
0x7c: {  	v4 =	vadd.s32 v1, v4;
	_ =	sdelay $0x3  }
0x7d: {  	s0 =	rddreg [dreg:$0x1c];
	v3 =	vperm.xlane v3, v2  }
0x7e: {  	[tilespmem:s0], [sflag:$0x1] =	stream.indirect_vreg.gather [hbm4b:s3+s2], $0x80, v4, vm0, $0xb8;
	[tilespmem:$0x18080] =	vst v63  }
0x7f: {  	s9 =	rddreg [dreg:$0x1d];
	v3 =	vadd.s32 v1, v3  }
0x80: {  	[tilespmem:s9], [sflag:$0x1] =	stream.indirect_vreg.gather [hbm4b:s4+s2], $0x80, v4, vm0, $0xb8;
	[tilespmem:$0x18080] =	vst v63  }
0x81: {  	s9 =	simm.s32 $0xD080  }
0x82: {  	[tilespmem:s9], [sflag:$0x1] =	stream.indirect_vreg.gather [hbm4b:s5+s2], $0x80, v4, vm0, $0xb8;
	[tilespmem:$0x18080] =	vst v63  }
0x83: {  	_ = 	snop  }
0x84: {  	[tilespmem:s10], [sflag:$0x1] =	stream.indirect_vreg.gather [hbm4b:s3+s2], $0x80, v3, vm0, $0xb8;
	[tilespmem:$0x18080] =	vst v63  }
0x85: {  	_ = 	snop  }
0x86: {  	[tilespmem:s11], [sflag:$0x1] =	stream.indirect_vreg.gather [hbm4b:s4+s2], $0x80, v3, vm0, $0xb8;
	[tilespmem:$0x18080] =	vst v63  }
0x87: {  	_ = 	snop  }
0x88: {  	[tilespmem:s12], [sflag:$0x1] =	stream.indirect_vreg.gather [hbm4b:s5+s2], $0x80, v3, vm0, $0xb8;
	[tilespmem:$0x18080] =	vst v63  }
0x89: {  	v3 =	vld [tilespmem:$0x50];
	_ =	sdelay $0x4  }
0x8a: {  	v61 =	vshrl.u32 v3, $0x3  }
0x8b: {  	v4 =	vmul.u32 $0x30, v61  }
0x8c: {  	v3 =	vand.u32 $0x7, v3  }
0x8d: {  	v3 =	vor.u32 v3, v4  }
0x8e: {  	v4 =	vperm.xlane v3, v0;
	_ =	sdelay $0x1  }
0x8f: {  	v4 =	vadd.s32 v1, v4;
	_ =	sdelay $0x3  }
0x90: {  	v3 =	vperm.xlane v3, v2  }
0x91: {  	[tilespmem:s13], [sflag:$0x1] =	stream.indirect_vreg.gather [hbm4b:s3+s2], $0x80, v4, vm0, $0xb8;
	[tilespmem:$0x18080] =	vst v63  }
0x92: {  	v3 =	vadd.s32 v1, v3  }
0x93: {  	[tilespmem:s14], [sflag:$0x1] =	stream.indirect_vreg.gather [hbm4b:s4+s2], $0x80, v4, vm0, $0xb8;
	[tilespmem:$0x18080] =	vst v63  }
0x94: {  	_ = 	snop  }
0x95: {  	[tilespmem:s15], [sflag:$0x1] =	stream.indirect_vreg.gather [hbm4b:s5+s2], $0x80, v4, vm0, $0xb8;
	[tilespmem:$0x18080] =	vst v63  }
0x96: {  	_ = 	snop  }
0x97: {  	[tilespmem:s16], [sflag:$0x1] =	stream.indirect_vreg.gather [hbm4b:s3+s2], $0x80, v3, vm0, $0xb8;
	[tilespmem:$0x18080] =	vst v63  }
0x98: {  	_ = 	snop  }
0x99: {  	[tilespmem:s17], [sflag:$0x1] =	stream.indirect_vreg.gather [hbm4b:s4+s2], $0x80, v3, vm0, $0xb8;
	[tilespmem:$0x18080] =	vst v63  }
0x9a: {  	_ = 	snop  }
0x9b: {  	[tilespmem:s18], [sflag:$0x1] =	stream.indirect_vreg.gather [hbm4b:s5+s2], $0x80, v3, vm0, $0xb8;
	[tilespmem:$0x18080] =	vst v63  }
0x9c: {  	v3 =	vld [tilespmem:$0x60];
	_ =	sdelay $0x4  }
0x9d: {  	v62 =	vshrl.u32 v3, $0x3  }
0x9e: {  	v4 =	vmul.u32 $0x30, v62  }
0x9f: {  	v3 =	vand.u32 $0x7, v3  }
0xa0: {  	v3 =	vor.u32 v3, v4  }
0xa1: {  	v4 =	vperm.xlane v3, v0;
	_ =	sdelay $0x1  }
0xa2: {  	v4 =	vadd.s32 v1, v4;
	_ =	sdelay $0x3  }
0xa3: {  	v3 =	vperm.xlane v3, v2  }
0xa4: {  	[tilespmem:s19], [sflag:$0x1] =	stream.indirect_vreg.gather [hbm4b:s3+s2], $0x80, v4, vm0, $0xb8;
	[tilespmem:$0x18080] =	vst v63  }
0xa5: {  	v3 =	vadd.s32 v1, v3  }
0xa6: {  	[tilespmem:s20], [sflag:$0x1] =	stream.indirect_vreg.gather [hbm4b:s4+s2], $0x80, v4, vm0, $0xb8;
	[tilespmem:$0x18080] =	vst v63  }
0xa7: {  	_ = 	snop  }
0xa8: {  	[tilespmem:s21], [sflag:$0x1] =	stream.indirect_vreg.gather [hbm4b:s5+s2], $0x80, v4, vm0, $0xb8;
	[tilespmem:$0x18080] =	vst v63  }
0xa9: {  	_ = 	snop  }
0xaa: {  	[tilespmem:s22], [sflag:$0x1] =	stream.indirect_vreg.gather [hbm4b:s3+s2], $0x80, v3, vm0, $0xb8;
	[tilespmem:$0x18080] =	vst v63  }
0xab: {  	_ = 	snop  }
0xac: {  	[tilespmem:s23], [sflag:$0x1] =	stream.indirect_vreg.gather [hbm4b:s4+s2], $0x80, v3, vm0, $0xb8;
	[tilespmem:$0x18080] =	vst v63  }
0xad: {  	_ = 	snop  }
0xae: {  	[tilespmem:s24], [sflag:$0x1] =	stream.indirect_vreg.gather [hbm4b:s5+s2], $0x80, v3, vm0, $0xb8;
	[tilespmem:$0x18080] =	vst v63  }
0xaf: {  	v3 =	vld [tilespmem:$0x70];
	_ =	sdelay $0x4  }
0xb0: {  	v63 =	vshrl.u32 v3, $0x3  }
0xb1: {  	v4 =	vmul.u32 $0x30, v63  }
0xb2: {  	v3 =	vand.u32 $0x7, v3  }
0xb3: {  	v3 =	vor.u32 v3, v4  }
0xb4: {  	v4 =	vperm.xlane v3, v0;
	_ =	sdelay $0x1  }
0xb5: {  	v4 =	vadd.s32 v1, v4;
	_ =	sdelay $0x3  }
0xb6: {  	v3 =	vperm.xlane v3, v2  }
0xb7: {  	[tilespmem:s25], [sflag:$0x1] =	stream.indirect_vreg.gather [hbm4b:s3+s2], $0x80, v4, vm0, $0xb8;
	[tilespmem:$0x18080] =	vst v63  }
0xb8: {  	v3 =	vadd.s32 v1, v3  }
0xb9: {  	[tilespmem:s26], [sflag:$0x1] =	stream.indirect_vreg.gather [hbm4b:s4+s2], $0x80, v4, vm0, $0xb8;
	[tilespmem:$0x18080] =	vst v63  }
0xba: {  	_ = 	snop  }
0xbb: {  	[tilespmem:s28], [sflag:$0x1] =	stream.indirect_vreg.gather [hbm4b:s5+s2], $0x80, v4, vm0, $0xb8;
	[tilespmem:$0x18080] =	vst v63  }
0xbc: {  	_ = 	snop  }
0xbd: {  	[tilespmem:s29], [sflag:$0x1] =	stream.indirect_vreg.gather [hbm4b:s3+s2], $0x80, v3, vm0, $0xb8;
	[tilespmem:$0x18080] =	vst v63  }
0xbe: {  	_ = 	snop  }
0xbf: {  	[tilespmem:s30], [sflag:$0x1] =	stream.indirect_vreg.gather [hbm4b:s4+s2], $0x80, v3, vm0, $0xb8;
	[tilespmem:$0x18080] =	vst v63  }
0xc0: {  	_ = 	snop  }
0xc1: {  	[tilespmem:s31], [sflag:$0x1] =	stream.indirect_vreg.gather [hbm4b:s5+s2], $0x80, v3, vm0, $0xb8;
	[tilespmem:$0x18080] =	vst v63  }
0xc2: {  	_ =	swait.ge [sflag:s1], $0x18000  }
0xc3: {  	p0 =	sne.s32 s6, $0x1;
	[sflag:s1] =	ssyncset.done $0x0  }
.Ltmp0:
0xc4: {  	s9 =	rddreg [dreg:$0x4];
	[sflag:s1] =	ssyncadd.s32 $0xFFFE8000;
	(pc) =	sbr.rel @p0 .LBB2_1-.Ltmp0, $4  }
0xc5: {  	[hbm4b:s9+s2] =	stream.linear.scatter [tilespmem:s8], [sflag:$0x2], $0x18000, $0x38;
	[tilespmem:$0x18080] =	vst v63  }
0xc6: {  	_ =	swait.ge [sflag:s7], $0x18000  }
0xc7: {  	[sflag:s7] =	ssyncset.done $0x0  }
0xc8: {  	s6 =	sadd.s32 $0xFFFFFFFF, s6;
	[sflag:s7] =	ssyncadd.s32 $0xFFFE8000  }
0xc9: {  	_ =	sfence.sel $0x180000  }
0xca: {  	[bflag:$0x0] =	sbarrier.arrive $0xFFFF  }
0xcb: {  	_ =	strace $0x9000004A  }
0xcc: {  	s0 =	stileid.u32;
	[bflag:$0x2] =	sbarrier.arrive $0xFFFF  }
0xcd: {  	p0 =	sne.s32 s0, $0x0;
	s0 =	rddreg [dreg:$0x2]  }
0xce: {  	s0 =	sadd.s32 @!p0 $0x100000, s0  }
0xcf: {  	[sflag:s0] =	ssyncadd.tile.s32 @!p0 $0x1;
	_ =	shalt  }
.Lfunc_end2:
_tile_overlayer_lowered:
.L_overlay_start_2:
0xd0: {  	(tag) =	ssettag $0x2  }
0xd1: {  	s0 =	rddreg [dreg:$0x0];
	s2 =	stileid.u32  }
0xd2: {  	s1 =	rddreg [dreg:$0x1];
	p0 =	sne.s32 s2, $0x0  }
0xd3: {  	s3 =	rddreg [dreg:$0x2];
	[bflag:$0x3] =	sbarrier.arrive $0xFFFF;
	s2 =	simm.s32 @!p0 $0x1C02  }
0xd4: {  	[timem:s3], [sflag:s2] =	dma.local @!p0 [hbm:s0], s1  }
0xd5: {  	s0 =	simm.s32 @!p0 $0x2  }
0xd6: {  	_ =	swait.ge @!p0 [sflag:s0], s1  }
0xd7: {  	s1 =	ssub.s32 @!p0 $0x0, s1;
	[sflag:s0] =	ssyncset.done @!p0 $0x0  }
0xd8: {  	[sflag:s0] =	ssyncadd.s32 @!p0 s1  }
0xd9: {  	[bflag:$0x3] =	sbarrier.arrive $0xFFFF  }
0xda: {  	_ =	shalt  }

</sc_bundles>
